<compile_context>
chip_gen: v7x
topology: tpu7x:2x2x1
jax: 0.10.2.dev20260603
libtpu: 0.0.44.dev20260713+nightly
codegen_flags: <defaults>
</compile_context>

<pallas_src>
import functools

import jax
import jax.numpy as jnp
from jax import lax
from jax.experimental import pallas as pl
from jax.experimental.pallas import tpu as pltpu
from jax.experimental.pallas import tpu_sc as plsc

N = 10000
E = 320000
D = 128
H = 128
C = 10
G = 64

NC = 2
NS = 16
L = 16

CHUNK = 128
K = 2
EPT = 10240
E_PAD = NC * NS * EPT
NCHUNK = EPT // CHUNK
NPAD = 10240
E_PAD2 = E_PAD + 1024

_mesh = plsc.VectorSubcoreMesh(
    core_axis_name="c", subcore_axis_name="s", num_cores=NC, num_subcores=NS)



@functools.partial(
    pl.kernel,
    out_type=jax.ShapeDtypeStruct((NC * NPAD,), jnp.float32),
    mesh=_mesh,
    scratch_types=[
        pltpu.VMEM((CHUNK,), jnp.int32),
        pltpu.VMEM((CHUNK,), jnp.float32),
        pltpu.VMEM_SHARED((NPAD,), jnp.float32),
    ],
)
def _sc_degree(dst_hbm, out_hbm, d0_v, ones_v, acc_sh):
    c = lax.axis_index("c")
    s = lax.axis_index("s")

    one16 = jnp.ones((L,), jnp.float32)
    zero16 = jnp.zeros((L,), jnp.float32)
    zrows = NPAD // NS

    @pl.loop(0, CHUNK // L)
    def _(r):
        ones_v[pl.ds(r * L, L)] = zero16

    @pl.loop(0, zrows // CHUNK)
    def _(j):
        pltpu.sync_copy(ones_v, acc_sh.at[pl.ds(s * zrows + j * CHUNK, CHUNK)])

    @pl.loop(0, CHUNK // L)
    def _(r):
        ones_v[pl.ds(r * L, L)] = one16

    base = (c * NS + s) * NCHUNK

    plsc.subcore_barrier()

    @pl.loop(0, NCHUNK)
    def _(j):
        pltpu.sync_copy(dst_hbm.at[pl.ds((base + j) * CHUNK, CHUNK)], d0_v)
        pltpu.sync_copy(ones_v, acc_sh.at[d0_v], add=True)

    plsc.subcore_barrier()

    @pl.loop(0, zrows // CHUNK)
    def _(j):
        rb = s * zrows + j * CHUNK
        pltpu.sync_copy(acc_sh.at[pl.ds(rb, CHUNK)], ones_v)
        pltpu.sync_copy(ones_v, out_hbm.at[pl.ds(c * NPAD + rb, CHUNK)])


@functools.partial(
    pl.kernel,
    out_type=jax.ShapeDtypeStruct((NC, NPAD, D), jnp.float32),
    mesh=_mesh,
    scratch_types=(
        [pltpu.VMEM((CHUNK,), jnp.int32) for _ in range(K)]
        + [pltpu.VMEM((CHUNK,), jnp.int32) for _ in range(K)]
        + [pltpu.VMEM((CHUNK, D), jnp.float32) for _ in range(K)]
        + [pltpu.VMEM_SHARED((NPAD, D), jnp.float32)]
    ),
)
def _sc_segsum(g_hbm, src_hbm, dst_hbm, out_hbm, *scr):
    s_bufs = scr[:K]
    d_bufs = scr[K:2 * K]
    r_bufs = scr[2 * K:3 * K]
    acc_sh = scr[3 * K]
    rows0_v = r_bufs[0]

    c = lax.axis_index("c")
    s = lax.axis_index("s")

    zero16 = jnp.zeros((L,), jnp.float32)

    @pl.loop(0, CHUNK)
    def _(r):
        @pl.loop(0, D // L)
        def _(t):
            rows0_v[r, pl.ds(t * L, L)] = zero16

    zrows = NPAD // NS

    @pl.loop(0, zrows // CHUNK)
    def _(j):
        pltpu.sync_copy(rows0_v, acc_sh.at[pl.ds(s * zrows + j * CHUNK, CHUNK)])

    base = (c * NS + s) * NCHUNK

    def sidx(chunk, buf, sem):
        return pltpu.make_async_copy(
            src_hbm.at[pl.ds((base + chunk) * CHUNK, CHUNK)], buf, sem)

    def didx(chunk, buf, sem):
        return pltpu.make_async_copy(
            dst_hbm.at[pl.ds((base + chunk) * CHUNK, CHUNK)], buf, sem)

    def gather(ibuf, rbuf, sem):
        return pltpu.make_async_copy(g_hbm.at[ibuf], rbuf, sem)

    plsc.subcore_barrier()

    def _edge_loop(*sems):
        gsems = sems[:K]
        ssems = sems[K:2 * K]
        dsems = sems[2 * K:]

        @pl.loop(0, NCHUNK, step=K)
        def _(j):
            for b in range(K):
                sidx(j + b, s_bufs[b], ssems[b]).start()
                didx(j + b, d_bufs[b], dsems[b]).start()
            for b in range(K):
                sidx(j + b, s_bufs[b], ssems[b]).wait()
                gather(s_bufs[b], r_bufs[b], gsems[b]).start()
            for b in range(K):
                didx(j + b, d_bufs[b], dsems[b]).wait()
            for b in range(K):
                gather(s_bufs[b], r_bufs[b], gsems[b]).wait()
            scats = []
            for b in range(K):
                sc = pltpu.make_async_copy(
                    r_bufs[b], acc_sh.at[d_bufs[b]], gsems[b])
                sc.start(add=True)
                scats.append(sc)
            for sc in scats:
                sc.wait()

    pl.run_scoped(_edge_loop, *([pltpu.SemaphoreType.DMA(())] * (3 * K)))

    plsc.subcore_barrier()

    ob = s * zrows
    pltpu.sync_copy(acc_sh.at[pl.ds(ob, zrows)], out_hbm.at[c, pl.ds(ob, zrows)])



def _tc_first(deg_ref, x_ref, w1_ref, g_ref, dinv_ref):
    deg = 1.0 + deg_ref[0, 0:N, 0:1] + deg_ref[1, 0:N, 0:1]
    dinv = lax.rsqrt(deg)
    h = jnp.dot(x_ref[...], w1_ref[...], preferred_element_type=jnp.float32)
    g_ref[pl.ds(0, N), :] = dinv * h
    g_ref[pl.ds(N, NPAD - N), :] = jnp.zeros((NPAD - N, D), jnp.float32)
    dinv_ref[...] = dinv


def _tc_mid(s_ref, g_ref, dinv_ref, b_ref, w2_ref, g2_ref):
    dinv = dinv_ref[...]
    z = dinv * (s_ref[0, 0:N, :] + s_ref[1, 0:N, :] + g_ref[0:N, :]) + b_ref[...]
    z = jnp.maximum(z, 0.0)
    h = jnp.dot(z, w2_ref[...], preferred_element_type=jnp.float32)
    g2_ref[pl.ds(0, N), :] = dinv * h
    g2_ref[pl.ds(N, NPAD - N), :] = jnp.zeros((NPAD - N, D), jnp.float32)


def _tc_head(s_ref, g_ref, dinv_ref, b_ref, batch_ref, wfc_ref, bfc_ref, out_ref):
    dinv = dinv_ref[...]
    z = dinv * (s_ref[0, 0:N, :] + s_ref[1, 0:N, :] + g_ref[0:N, :]) + b_ref[...]
    z = jnp.maximum(z, 0.0)
    seg = lax.broadcasted_iota(jnp.int32, (G, N), 0)
    oh = (seg == batch_ref[...]).astype(jnp.float32)
    psum = jnp.dot(oh, z, preferred_element_type=jnp.float32)
    cnt = jnp.dot(oh, jnp.ones((N, 1), jnp.float32),
                  preferred_element_type=jnp.float32)
    pooled = psum / jnp.maximum(cnt, 1.0)
    out_ref[...] = jnp.dot(pooled, wfc_ref[...],
                           preferred_element_type=jnp.float32) + bfc_ref[...]


def kernel(x, edge_index, batch, W1, b1, W2, b2, Wfc, bfc):
    src = edge_index[0]
    dst = edge_index[1]
    npad_extra = E_PAD2 - E
    pad_src = jnp.full((npad_extra,), N, jnp.int32)
    pad_dst = N + (jnp.arange(npad_extra, dtype=jnp.int32) % (NPAD - N))
    srcp = jnp.concatenate([src, pad_src])
    dstp = jnp.concatenate([dst, pad_dst])
    batch_row = batch.reshape(1, N)

    degp = _sc_degree(dstp).reshape(NC, NPAD, 1)

    g1, dinv = pl.pallas_call(
        _tc_first,
        out_shape=(jax.ShapeDtypeStruct((NPAD, D), jnp.float32),
                   jax.ShapeDtypeStruct((N, 1), jnp.float32)),
    )(degp, x, W1)

    s1 = _sc_segsum(g1, srcp, dstp)

    g2 = pl.pallas_call(
        _tc_mid,
        out_shape=jax.ShapeDtypeStruct((NPAD, D), jnp.float32),
    )(s1, g1, dinv, b1.reshape(1, H), W2)

    s2 = _sc_segsum(g2, srcp, dstp)

    out = pl.pallas_call(
        _tc_head,
        out_shape=jax.ShapeDtypeStruct((G, C), jnp.float32),
    )(s2, g2, dinv, b2.reshape(1, H), batch_row, Wfc, bfc.reshape(1, C))
    return out

# --- scband reference (transcript-rebuilt; emitter-appended) ---
"""Pipeline reference for scband-target-model-20340965114225 (READ-ONLY COPY).

The authoritative reference and input builder live on the scoring server;
editing this copy changes nothing except your own understanding.
"""

import jax, jax.numpy as jnp
import numpy as np

N = 10000
E = 320000
D = 128
H = 128
C = 10
G = 64


def setup_inputs(seed: int = 0) -> dict:
    key = jax.random.key(seed)
    ks = jax.random.split(key, 10)
    x = jax.random.normal(ks[0], (N, D), dtype=jnp.float32)
    edge_index = jax.random.randint(ks[1], (2, E), 0, N, dtype=jnp.int32)
    batch = jnp.sort(jax.random.randint(ks[2], (N,), 0, G, dtype=jnp.int32))
    W1 = jax.random.normal(ks[3], (D, H), dtype=jnp.float32) * 0.05
    b1 = jnp.zeros((H,), dtype=jnp.float32)
    W2 = jax.random.normal(ks[4], (H, H), dtype=jnp.float32) * 0.05
    b2 = jnp.zeros((H,), dtype=jnp.float32)
    Wfc = jax.random.normal(ks[5], (H, C), dtype=jnp.float32) * 0.05
    bfc = jnp.zeros((C,), dtype=jnp.float32)
    return {"x": x, "edge_index": edge_index, "batch": batch,
            "W1": W1, "b1": b1, "W2": W2, "b2": b2, "Wfc": Wfc, "bfc": bfc}


def gcn_conv(x, edge_index, W, b):
    # GCNConv: x' = D^{-1/2} (A + I) D^{-1/2} X W + b
    n = x.shape[0]
    src = edge_index[0]
    dst = edge_index[1]
    loop = jnp.arange(n, dtype=src.dtype)
    src = jnp.concatenate([src, loop])
    dst = jnp.concatenate([dst, loop])
    deg = jnp.zeros((n,), x.dtype).at[dst].add(1.0)
    dinv = jnp.where(deg > 0, 1.0 / jnp.sqrt(deg), 0.0)
    norm = dinv[src] * dinv[dst]
    h = x @ W
    out = jnp.zeros((n, W.shape[1]), x.dtype).at[dst].add(h[src] * norm[:, None])
    return out + b


def reference(x, edge_index, batch, W1, b1, W2, b2, Wfc, bfc):
    h = jax.nn.relu(gcn_conv(x, edge_index, W1, b1))
    h = jax.nn.relu(gcn_conv(h, edge_index, W2, b2))
    s = jax.ops.segment_sum(h, batch, num_segments=G)
    cnt = jax.ops.segment_sum(jnp.ones((h.shape[0],), h.dtype), batch, num_segments=G)
    pooled = s / jnp.clip(cnt, 1.0)[:, None]
    return pooled @ Wfc + bfc

if __name__ == "__main__":
    import jax
    _d = setup_inputs()
    print(jax.jit(kernel)(*tuple(_d.values())))

</pallas_src>

<mosaic_0001>
#map = affine_map<(d0, d1) -> (0)>
module attributes {stable_mosaic.version = 14 : i64} {
  func.func @_sc_degree(%arg0: i32, %arg1: i32, %arg2: memref<328704xi32, #tpu.memory_space<hbm>>, %arg3: memref<20480xf32, #tpu.memory_space<hbm>>, %arg4: memref<128xi32, #tpu.memory_space<vmem>>, %arg5: memref<128xf32, #tpu.memory_space<vmem>>, %arg6: memref<10240xf32, #tpu.memory_space<vmem_shared>>) attributes {dimension_semantics = [#tpu.dimension_semantics<core_parallel>, #tpu.dimension_semantics<subcore_parallel>], iteration_bounds = array<i64: 2, 16>, scalar_prefetch = 0 : i64, scratch_operands = 3 : i64, tpu.core_type = #tpu.core_type<sc_vector_subcore>, window_params = [{transform_indices = #map}, {transform_indices = #map}]} {
    %broadcast_in_dim3A = arith.constant 1.000000e+00 : f32
    %broadcast_in_dim3A_0 = vector.broadcast %broadcast_in_dim3A : f32 to vector<16xf32>
    %broadcast_in_dim3A_1 = arith.constant 0.000000e+00 : f32
    %broadcast_in_dim3A_2 = vector.broadcast %broadcast_in_dim3A_1 : f32 to vector<16xf32>
    %scan3A = arith.constant 0 : i32
    %scan3A_3 = arith.constant 8 : i32
    %scan3A_4 = arith.addi %scan3A, %scan3A_3 : i32
    %scan3A_5 = arith.constant 1 : i32
    scf.for %scan3A_31 = %scan3A to %scan3A_4 step %scan3A_5  : i32 {
      %mul3A_32 = arith.constant 1 : i32
      %mul3A_33 = arith.muli %scan3A_31, %mul3A_32 : i32
      %add3A_34 = arith.constant 0 : i32
      %add3A_35 = arith.addi %add3A_34, %mul3A_33 : i32
      %mul3A_36 = arith.constant 16 : i32
      %mul3A_37 = arith.muli %add3A_35, %mul3A_36 : i32
      %swap3A = arith.index_cast %mul3A_37 : i32 to index
      %swap3A_38 = tpu.vector_load %arg5[%swap3A] {strides = array<i32>} : memref<128xf32, #tpu.memory_space<vmem>>, vector<16xf32>,
      %swap3A_39 = vector.shape_cast %swap3A_38 : vector<16xf32> to vector<16xf32>
      %swap3A_40 = vector.shape_cast %broadcast_in_dim3A_2 : vector<16xf32> to vector<16xf32>
      tpu.vector_store %arg5[%swap3A], %swap3A_40 {strides = array<i32>} : memref<128xf32, #tpu.memory_space<vmem>>, vector<16xf32>,
    }
    %scan3A_6 = arith.constant 8 : i32
    %scan3A_7 = arith.constant 0 : i32
    %scan3A_8 = arith.constant 5 : i32
    %scan3A_9 = arith.addi %scan3A_7, %scan3A_8 : i32
    %scan3A_10 = arith.constant 1 : i32
    scf.for %scan3A_31 = %scan3A_7 to %scan3A_9 step %scan3A_10  : i32 {
      %mul3A_32 = arith.constant 1 : i32
      %mul3A_33 = arith.muli %scan3A_31, %mul3A_32 : i32
      %add3A_34 = arith.constant 0 : i32
      %add3A_35 = arith.addi %add3A_34, %mul3A_33 : i32
      %mul3A_36 = arith.constant 640 : i32
      %mul3A_37 = arith.muli %arg1, %mul3A_36 : i32
      %mul3A_38 = arith.constant 128 : i32
      %mul3A_39 = arith.muli %add3A_35, %mul3A_38 : i32
      %add3A_40 = arith.addi %mul3A_37, %mul3A_39 : i32
      "tpu.region"() ({
        %run_scoped3A = tpu.sem_alloc : memref<!tpu.dma_semaphore, #tpu.memory_space<semaphore_mem>>
        %dma_start3A = tpu.memref_slice %arg6[%add3A_40] : memref<10240xf32, #tpu.memory_space<vmem_shared>> -> memref<128xf32, #tpu.memory_space<vmem_shared>>
        %dma_start3A_41 = tpu.memref_slice %arg6[%add3A_40] : memref<10240xf32, #tpu.memory_space<vmem_shared>> -> memref<128xf32, #tpu.memory_space<vmem_shared>>
        tpu.enqueue_dma source(%arg5 : memref<128xf32, #tpu.memory_space<vmem>>) target(%dma_start3A_41 : memref<128xf32, #tpu.memory_space<vmem_shared>>) target_semaphore(%run_scoped3A : memref<!tpu.dma_semaphore, #tpu.memory_space<semaphore_mem>>)
        %dma_wait3A = tpu.memref_slice %arg6[%add3A_40] : memref<10240xf32, #tpu.memory_space<vmem_shared>> -> memref<128xf32, #tpu.memory_space<vmem_shared>>
        %dma_wait3A_42 = tpu.memref_slice %arg6[%add3A_40] : memref<10240xf32, #tpu.memory_space<vmem_shared>> -> memref<128xf32, #tpu.memory_space<vmem_shared>>
        tpu.wait_dma2 semaphore(%run_scoped3A : memref<!tpu.dma_semaphore, #tpu.memory_space<semaphore_mem>>) src(%arg5 : memref<128xf32, #tpu.memory_space<vmem>>) dst(%dma_wait3A_42 : memref<128xf32, #tpu.memory_space<vmem_shared>>)
        tpu.yield
      }) : () -> ()
    }
    %scan3A_11 = arith.constant 5 : i32
    %scan3A_12 = arith.constant 0 : i32
    %scan3A_13 = arith.constant 8 : i32
    %scan3A_14 = arith.addi %scan3A_12, %scan3A_13 : i32
    %scan3A_15 = arith.constant 1 : i32
    scf.for %scan3A_31 = %scan3A_12 to %scan3A_14 step %scan3A_15  : i32 {
      %mul3A_32 = arith.constant 1 : i32
      %mul3A_33 = arith.muli %scan3A_31, %mul3A_32 : i32
      %add3A_34 = arith.constant 0 : i32
      %add3A_35 = arith.addi %add3A_34, %mul3A_33 : i32
      %mul3A_36 = arith.constant 16 : i32
      %mul3A_37 = arith.muli %add3A_35, %mul3A_36 : i32
      %swap3A = arith.index_cast %mul3A_37 : i32 to index
      %swap3A_38 = tpu.vector_load %arg5[%swap3A] {strides = array<i32>} : memref<128xf32, #tpu.memory_space<vmem>>, vector<16xf32>,
      %swap3A_39 = vector.shape_cast %swap3A_38 : vector<16xf32> to vector<16xf32>
      %swap3A_40 = vector.shape_cast %broadcast_in_dim3A_0 : vector<16xf32> to vector<16xf32>
      tpu.vector_store %arg5[%swap3A], %swap3A_40 {strides = array<i32>} : memref<128xf32, #tpu.memory_space<vmem>>, vector<16xf32>,
    }
    %scan3A_16 = arith.constant 8 : i32
    %mul3A = arith.constant 16 : i32
    %mul3A_17 = arith.muli %arg0, %mul3A : i32
    %add3A = arith.addi %mul3A_17, %arg1 : i32
    %mul3A_18 = arith.constant 80 : i32
    %mul3A_19 = arith.muli %add3A, %mul3A_18 : i32
    %barrier3A = arith.constant 0 : index
    tpu.barrier barrier_id(%barrier3A)
    %scan3A_20 = arith.constant 0 : i32
    %scan3A_21 = arith.constant 80 : i32
    %scan3A_22 = arith.addi %scan3A_20, %scan3A_21 : i32
    %scan3A_23 = arith.constant 1 : i32
    scf.for %scan3A_31 = %scan3A_20 to %scan3A_22 step %scan3A_23  : i32 {
      %mul3A_32 = arith.constant 1 : i32
      %mul3A_33 = arith.muli %scan3A_31, %mul3A_32 : i32
      %add3A_34 = arith.constant 0 : i32
      %add3A_35 = arith.addi %add3A_34, %mul3A_33 : i32
      %add3A_36 = arith.addi %mul3A_19, %add3A_35 : i32
      %mul3A_37 = arith.constant 128 : i32
      %mul3A_38 = arith.muli %add3A_36, %mul3A_37 : i32
      "tpu.region"() ({
        %run_scoped3A = tpu.sem_alloc : memref<!tpu.dma_semaphore, #tpu.memory_space<semaphore_mem>>
        %dma_start3A = tpu.memref_slice %arg2[%mul3A_38] : memref<328704xi32, #tpu.memory_space<hbm>> -> memref<128xi32, #tpu.memory_space<hbm>>
        %dma_start3A_39 = tpu.memref_slice %arg2[%mul3A_38] : memref<328704xi32, #tpu.memory_space<hbm>> -> memref<128xi32, #tpu.memory_space<hbm>>
        tpu.enqueue_dma source(%dma_start3A_39 : memref<128xi32, #tpu.memory_space<hbm>>) target(%arg4 : memref<128xi32, #tpu.memory_space<vmem>>) target_semaphore(%run_scoped3A : memref<!tpu.dma_semaphore, #tpu.memory_space<semaphore_mem>>)
        %dma_wait3A = tpu.memref_slice %arg2[%mul3A_38] : memref<328704xi32, #tpu.memory_space<hbm>> -> memref<128xi32, #tpu.memory_space<hbm>>
        %dma_wait3A_40 = tpu.memref_slice %arg2[%mul3A_38] : memref<328704xi32, #tpu.memory_space<hbm>> -> memref<128xi32, #tpu.memory_space<hbm>>
        tpu.wait_dma2 semaphore(%run_scoped3A : memref<!tpu.dma_semaphore, #tpu.memory_space<semaphore_mem>>) src(%dma_wait3A_40 : memref<128xi32, #tpu.memory_space<hbm>>) dst(%arg4 : memref<128xi32, #tpu.memory_space<vmem>>)
        tpu.yield
      }) : () -> ()
      "tpu.region"() ({
        %run_scoped3A = tpu.sem_alloc : memref<!tpu.dma_semaphore, #tpu.memory_space<semaphore_mem>>
        %dma_start3A = arith.constant 0 : i32
        %dma_start3A_39 = tpu.memref_slice %arg6[%dma_start3A] : memref<10240xf32, #tpu.memory_space<vmem_shared>> -> memref<10240xf32, #tpu.memory_space<vmem_shared>>
        tpu.enqueue_indirect_dma source(%arg5 : memref<128xf32, #tpu.memory_space<vmem>>) target(%dma_start3A_39 : memref<10240xf32, #tpu.memory_space<vmem_shared>>) offsets(%arg4 : memref<128xi32, #tpu.memory_space<vmem>>) semaphore(%run_scoped3A : memref<!tpu.dma_semaphore, #tpu.memory_space<semaphore_mem>>) {add = true}
        %dma_wait3A = arith.constant 0 : i32
        %dma_wait3A_40 = tpu.memref_slice %arg6[%dma_wait3A] : memref<10240xf32, #tpu.memory_space<vmem_shared>> -> memref<10240xf32, #tpu.memory_space<vmem_shared>>
        tpu.wait_indirect_dma semaphore(%run_scoped3A : memref<!tpu.dma_semaphore, #tpu.memory_space<semaphore_mem>>) src(%arg5 : memref<128xf32, #tpu.memory_space<vmem>>) dst(%dma_wait3A_40 : memref<10240xf32, #tpu.memory_space<vmem_shared>>)
        tpu.yield
      }) : () -> ()
    }
    %scan3A_24 = arith.constant 80 : i32
    %barrier3A_25 = arith.constant 0 : index
    tpu.barrier barrier_id(%barrier3A_25)
    %scan3A_26 = arith.constant 0 : i32
    %scan3A_27 = arith.constant 5 : i32
    %scan3A_28 = arith.addi %scan3A_26, %scan3A_27 : i32
    %scan3A_29 = arith.constant 1 : i32
    scf.for %scan3A_31 = %scan3A_26 to %scan3A_28 step %scan3A_29  : i32 {
      %mul3A_32 = arith.constant 1 : i32
      %mul3A_33 = arith.muli %scan3A_31, %mul3A_32 : i32
      %add3A_34 = arith.constant 0 : i32
      %add3A_35 = arith.addi %add3A_34, %mul3A_33 : i32
      %mul3A_36 = arith.constant 640 : i32
      %mul3A_37 = arith.muli %arg1, %mul3A_36 : i32
      %mul3A_38 = arith.constant 128 : i32
      %mul3A_39 = arith.muli %add3A_35, %mul3A_38 : i32
      %add3A_40 = arith.addi %mul3A_37, %mul3A_39 : i32
      "tpu.region"() ({
        %run_scoped3A = tpu.sem_alloc : memref<!tpu.dma_semaphore, #tpu.memory_space<semaphore_mem>>
        %dma_start3A = tpu.memref_slice %arg6[%add3A_40] : memref<10240xf32, #tpu.memory_space<vmem_shared>> -> memref<128xf32, #tpu.memory_space<vmem_shared>>
        %dma_start3A_44 = tpu.memref_slice %arg6[%add3A_40] : memref<10240xf32, #tpu.memory_space<vmem_shared>> -> memref<128xf32, #tpu.memory_space<vmem_shared>>
        tpu.enqueue_dma source(%dma_start3A_44 : memref<128xf32, #tpu.memory_space<vmem_shared>>) target(%arg5 : memref<128xf32, #tpu.memory_space<vmem>>) target_semaphore(%run_scoped3A : memref<!tpu.dma_semaphore, #tpu.memory_space<semaphore_mem>>)
        %dma_wait3A = tpu.memref_slice %arg6[%add3A_40] : memref<10240xf32, #tpu.memory_space<vmem_shared>> -> memref<128xf32, #tpu.memory_space<vmem_shared>>
        %dma_wait3A_45 = tpu.memref_slice %arg6[%add3A_40] : memref<10240xf32, #tpu.memory_space<vmem_shared>> -> memref<128xf32, #tpu.memory_space<vmem_shared>>
        tpu.wait_dma2 semaphore(%run_scoped3A : memref<!tpu.dma_semaphore, #tpu.memory_space<semaphore_mem>>) src(%dma_wait3A_45 : memref<128xf32, #tpu.memory_space<vmem_shared>>) dst(%arg5 : memref<128xf32, #tpu.memory_space<vmem>>)
        tpu.yield
      }) : () -> ()
      %mul3A_41 = arith.constant 10240 : i32
      %mul3A_42 = arith.muli %arg0, %mul3A_41 : i32
      %add3A_43 = arith.addi %mul3A_42, %add3A_40 : i32
      "tpu.region"() ({
        %run_scoped3A = tpu.sem_alloc : memref<!tpu.dma_semaphore, #tpu.memory_space<semaphore_mem>>
        %dma_start3A = tpu.memref_slice %arg3[%add3A_43] : memref<20480xf32, #tpu.memory_space<hbm>> -> memref<128xf32, #tpu.memory_space<hbm>>
        %dma_start3A_44 = tpu.memref_slice %arg3[%add3A_43] : memref<20480xf32, #tpu.memory_space<hbm>> -> memref<128xf32, #tpu.memory_space<hbm>>
        tpu.enqueue_dma source(%arg5 : memref<128xf32, #tpu.memory_space<vmem>>) target(%dma_start3A_44 : memref<128xf32, #tpu.memory_space<hbm>>) target_semaphore(%run_scoped3A : memref<!tpu.dma_semaphore, #tpu.memory_space<semaphore_mem>>)
        %dma_wait3A = tpu.memref_slice %arg3[%add3A_43] : memref<20480xf32, #tpu.memory_space<hbm>> -> memref<128xf32, #tpu.memory_space<hbm>>
        %dma_wait3A_45 = tpu.memref_slice %arg3[%add3A_43] : memref<20480xf32, #tpu.memory_space<hbm>> -> memref<128xf32, #tpu.memory_space<hbm>>
        tpu.wait_dma2 semaphore(%run_scoped3A : memref<!tpu.dma_semaphore, #tpu.memory_space<semaphore_mem>>) src(%arg5 : memref<128xf32, #tpu.memory_space<vmem>>) dst(%dma_wait3A_45 : memref<128xf32, #tpu.memory_space<hbm>>)
        tpu.yield
      }) : () -> ()
    }
    %scan3A_30 = arith.constant 5 : i32
    return
  }
}

#map = affine_map<(d0, d1) -> (0, 0)>
#map1 = affine_map<(d0, d1) -> (0)>
#map2 = affine_map<(d0, d1) -> (0, 0, 0)>
module attributes {stable_mosaic.version = 14 : i64} {
  func.func @_sc_segsum(%arg0: i32, %arg1: i32, %arg2: memref<10240x128xf32, #tpu.memory_space<hbm>>, %arg3: memref<328704xi32, #tpu.memory_space<hbm>>, %arg4: memref<328704xi32, #tpu.memory_space<hbm>>, %arg5: memref<2x10240x128xf32, #tpu.memory_space<hbm>>, %arg6: memref<128xi32, #tpu.memory_space<vmem>>, %arg7: memref<128xi32, #tpu.memory_space<vmem>>, %arg8: memref<128xi32, #tpu.memory_space<vmem>>, %arg9: memref<128xi32, #tpu.memory_space<vmem>>, %arg10: memref<128x128xf32, #tpu.memory_space<vmem>>, %arg11: memref<128x128xf32, #tpu.memory_space<vmem>>, %arg12: memref<10240x128xf32, #tpu.memory_space<vmem_shared>>) attributes {dimension_semantics = [#tpu.dimension_semantics<core_parallel>, #tpu.dimension_semantics<subcore_parallel>], iteration_bounds = array<i64: 2, 16>, scalar_prefetch = 0 : i64, scratch_operands = 7 : i64, tpu.core_type = #tpu.core_type<sc_vector_subcore>, window_params = [{transform_indices = #map}, {transform_indices = #map1}, {transform_indices = #map1}, {transform_indices = #map2}]} {
    %broadcast_in_dim3A = arith.constant 0.000000e+00 : f32
    %broadcast_in_dim3A_0 = vector.broadcast %broadcast_in_dim3A : f32 to vector<16xf32>
    %scan3A = arith.constant 0 : i32
    %scan3A_1 = arith.constant 128 : i32
    %scan3A_2 = arith.addi %scan3A, %scan3A_1 : i32
    %scan3A_3 = arith.constant 1 : i32
    scf.for %scan3A_16 = %scan3A to %scan3A_2 step %scan3A_3  : i32 {
      %mul3A_17 = arith.constant 1 : i32
      %mul3A_18 = arith.muli %scan3A_16, %mul3A_17 : i32
      %add3A_19 = arith.constant 0 : i32
      %add3A_20 = arith.addi %add3A_19, %mul3A_18 : i32
      %scan3A_21 = arith.constant 0 : i32
      %scan3A_22 = arith.constant 8 : i32
      %scan3A_23 = arith.addi %scan3A_21, %scan3A_22 : i32
      %scan3A_24 = arith.constant 1 : i32
      scf.for %scan3A_26 = %scan3A_21 to %scan3A_23 step %scan3A_24  : i32 {
        %mul3A_27 = arith.constant 1 : i32
        %mul3A_28 = arith.muli %scan3A_26, %mul3A_27 : i32
        %add3A_29 = arith.constant 0 : i32
        %add3A_30 = arith.addi %add3A_29, %mul3A_28 : i32
        %mul3A_31 = arith.constant 16 : i32
        %mul3A_32 = arith.muli %add3A_30, %mul3A_31 : i32
        %swap3A = arith.index_cast %add3A_20 : i32 to index
        %swap3A_33 = arith.index_cast %mul3A_32 : i32 to index
        %swap3A_34 = tpu.vector_load %arg10[%swap3A, %swap3A_33] {strides = array<i32>} : memref<128x128xf32, #tpu.memory_space<vmem>>, vector<1x16xf32>,
        %swap3A_35 = vector.shape_cast %swap3A_34 : vector<1x16xf32> to vector<16xf32>
        %swap3A_36 = vector.shape_cast %broadcast_in_dim3A_0 : vector<16xf32> to vector<1x16xf32>
        tpu.vector_store %arg10[%swap3A, %swap3A_33], %swap3A_36 {strides = array<i32>} : memref<128x128xf32, #tpu.memory_space<vmem>>, vector<1x16xf32>,
      }
      %scan3A_25 = arith.constant 8 : i32
    }
    %scan3A_4 = arith.constant 128 : i32
    %scan3A_5 = arith.constant 0 : i32
    %scan3A_6 = arith.constant 5 : i32
    %scan3A_7 = arith.addi %scan3A_5, %scan3A_6 : i32
    %scan3A_8 = arith.constant 1 : i32
    scf.for %scan3A_16 = %scan3A_5 to %scan3A_7 step %scan3A_8  : i32 {
      %mul3A_17 = arith.constant 1 : i32
      %mul3A_18 = arith.muli %scan3A_16, %mul3A_17 : i32
      %add3A_19 = arith.constant 0 : i32
      %add3A_20 = arith.addi %add3A_19, %mul3A_18 : i32
      %mul3A_21 = arith.constant 640 : i32
      %mul3A_22 = arith.muli %arg1, %mul3A_21 : i32
      %mul3A_23 = arith.constant 128 : i32
      %mul3A_24 = arith.muli %add3A_20, %mul3A_23 : i32
      %add3A_25 = arith.addi %mul3A_22, %mul3A_24 : i32
      "tpu.region"() ({
        %run_scoped3A = tpu.sem_alloc : memref<!tpu.dma_semaphore, #tpu.memory_space<semaphore_mem>>
        %dma_start3A = arith.constant 0 : i32
        %dma_start3A_26 = tpu.memref_slice %arg12[%add3A_25, %dma_start3A] : memref<10240x128xf32, #tpu.memory_space<vmem_shared>> -> memref<128x128xf32, #tpu.memory_space<vmem_shared>>
        %dma_start3A_27 = arith.constant 0 : i32
        %dma_start3A_28 = tpu.memref_slice %arg12[%add3A_25, %dma_start3A_27] : memref<10240x128xf32, #tpu.memory_space<vmem_shared>> -> memref<128x128xf32, #tpu.memory_space<vmem_shared>>
        tpu.enqueue_dma source(%arg10 : memref<128x128xf32, #tpu.memory_space<vmem>>) target(%dma_start3A_28 : memref<128x128xf32, #tpu.memory_space<vmem_shared>>) target_semaphore(%run_scoped3A : memref<!tpu.dma_semaphore, #tpu.memory_space<semaphore_mem>>)
        %dma_wait3A = arith.constant 0 : i32
        %dma_wait3A_29 = tpu.memref_slice %arg12[%add3A_25, %dma_wait3A] : memref<10240x128xf32, #tpu.memory_space<vmem_shared>> -> memref<128x128xf32, #tpu.memory_space<vmem_shared>>
        %dma_wait3A_30 = arith.constant 0 : i32
        %dma_wait3A_31 = tpu.memref_slice %arg12[%add3A_25, %dma_wait3A_30] : memref<10240x128xf32, #tpu.memory_space<vmem_shared>> -> memref<128x128xf32, #tpu.memory_space<vmem_shared>>
        tpu.wait_dma2 semaphore(%run_scoped3A : memref<!tpu.dma_semaphore, #tpu.memory_space<semaphore_mem>>) src(%arg10 : memref<128x128xf32, #tpu.memory_space<vmem>>) dst(%dma_wait3A_31 : memref<128x128xf32, #tpu.memory_space<vmem_shared>>)
        tpu.yield
      }) : () -> ()
    }
    %scan3A_9 = arith.constant 5 : i32
    %mul3A = arith.constant 16 : i32
    %mul3A_10 = arith.muli %arg0, %mul3A : i32
    %add3A = arith.addi %mul3A_10, %arg1 : i32
    %mul3A_11 = arith.constant 80 : i32
    %mul3A_12 = arith.muli %add3A, %mul3A_11 : i32
    %barrier3A = arith.constant 0 : index
    tpu.barrier barrier_id(%barrier3A)
    "tpu.region"() ({
      %run_scoped3A = tpu.sem_alloc : memref<!tpu.dma_semaphore, #tpu.memory_space<semaphore_mem>>
      %run_scoped3A_16 = tpu.sem_alloc : memref<!tpu.dma_semaphore, #tpu.memory_space<semaphore_mem>>
      %run_scoped3A_17 = tpu.sem_alloc : memref<!tpu.dma_semaphore, #tpu.memory_space<semaphore_mem>>
      %run_scoped3A_18 = tpu.sem_alloc : memref<!tpu.dma_semaphore, #tpu.memory_space<semaphore_mem>>
      %run_scoped3A_19 = tpu.sem_alloc : memref<!tpu.dma_semaphore, #tpu.memory_space<semaphore_mem>>
      %run_scoped3A_20 = tpu.sem_alloc : memref<!tpu.dma_semaphore, #tpu.memory_space<semaphore_mem>>
      %scan3A_21 = arith.constant 0 : i32
      %scan3A_22 = arith.constant 40 : i32
      %scan3A_23 = arith.addi %scan3A_21, %scan3A_22 : i32
      %scan3A_24 = arith.constant 1 : i32
      scf.for %scan3A_26 = %scan3A_21 to %scan3A_23 step %scan3A_24  : i32 {
        %mul3A_27 = arith.constant 2 : i32
        %mul3A_28 = arith.muli %scan3A_26, %mul3A_27 : i32
        %add3A_29 = arith.constant 0 : i32
        %add3A_30 = arith.addi %add3A_29, %mul3A_28 : i32
        %add3A_31 = arith.constant 0 : i32
        %add3A_32 = arith.addi %add3A_30, %add3A_31 : i32
        %add3A_33 = arith.addi %mul3A_12, %add3A_32 : i32
        %mul3A_34 = arith.constant 128 : i32
        %mul3A_35 = arith.muli %add3A_33, %mul3A_34 : i32
        %dma_start3A = tpu.memref_slice %arg3[%mul3A_35] : memref<328704xi32, #tpu.memory_space<hbm>> -> memref<128xi32, #tpu.memory_space<hbm>>
        %dma_start3A_36 = tpu.memref_slice %arg3[%mul3A_35] : memref<328704xi32, #tpu.memory_space<hbm>> -> memref<128xi32, #tpu.memory_space<hbm>>
        tpu.enqueue_dma source(%dma_start3A_36 : memref<128xi32, #tpu.memory_space<hbm>>) target(%arg6 : memref<128xi32, #tpu.memory_space<vmem>>) target_semaphore(%run_scoped3A_17 : memref<!tpu.dma_semaphore, #tpu.memory_space<semaphore_mem>>)
        %add3A_37 = arith.constant 0 : i32
        %add3A_38 = arith.addi %add3A_30, %add3A_37 : i32
        %add3A_39 = arith.addi %mul3A_12, %add3A_38 : i32
        %mul3A_40 = arith.constant 128 : i32
        %mul3A_41 = arith.muli %add3A_39, %mul3A_40 : i32
        %dma_start3A_42 = tpu.memref_slice %arg4[%mul3A_41] : memref<328704xi32, #tpu.memory_space<hbm>> -> memref<128xi32, #tpu.memory_space<hbm>>
        %dma_start3A_43 = tpu.memref_slice %arg4[%mul3A_41] : memref<328704xi32, #tpu.memory_space<hbm>> -> memref<128xi32, #tpu.memory_space<hbm>>
        tpu.enqueue_dma source(%dma_start3A_43 : memref<128xi32, #tpu.memory_space<hbm>>) target(%arg8 : memref<128xi32, #tpu.memory_space<vmem>>) target_semaphore(%run_scoped3A_19 : memref<!tpu.dma_semaphore, #tpu.memory_space<semaphore_mem>>)
        %add3A_44 = arith.constant 1 : i32
        %add3A_45 = arith.addi %add3A_30, %add3A_44 : i32
        %add3A_46 = arith.addi %mul3A_12, %add3A_45 : i32
        %mul3A_47 = arith.constant 128 : i32
        %mul3A_48 = arith.muli %add3A_46, %mul3A_47 : i32
        %dma_start3A_49 = tpu.memref_slice %arg3[%mul3A_48] : memref<328704xi32, #tpu.memory_space<hbm>> -> memref<128xi32, #tpu.memory_space<hbm>>
        %dma_start3A_50 = tpu.memref_slice %arg3[%mul3A_48] : memref<328704xi32, #tpu.memory_space<hbm>> -> memref<128xi32, #tpu.memory_space<hbm>>
        tpu.enqueue_dma source(%dma_start3A_50 : memref<128xi32, #tpu.memory_space<hbm>>) target(%arg7 : memref<128xi32, #tpu.memory_space<vmem>>) target_semaphore(%run_scoped3A_18 : memref<!tpu.dma_semaphore, #tpu.memory_space<semaphore_mem>>)
        %add3A_51 = arith.constant 1 : i32
        %add3A_52 = arith.addi %add3A_30, %add3A_51 : i32
        %add3A_53 = arith.addi %mul3A_12, %add3A_52 : i32
        %mul3A_54 = arith.constant 128 : i32
        %mul3A_55 = arith.muli %add3A_53, %mul3A_54 : i32
        %dma_start3A_56 = tpu.memref_slice %arg4[%mul3A_55] : memref<328704xi32, #tpu.memory_space<hbm>> -> memref<128xi32, #tpu.memory_space<hbm>>
        %dma_start3A_57 = tpu.memref_slice %arg4[%mul3A_55] : memref<328704xi32, #tpu.memory_space<hbm>> -> memref<128xi32, #tpu.memory_space<hbm>>
        tpu.enqueue_dma source(%dma_start3A_57 : memref<128xi32, #tpu.memory_space<hbm>>) target(%arg9 : memref<128xi32, #tpu.memory_space<vmem>>) target_semaphore(%run_scoped3A_20 : memref<!tpu.dma_semaphore, #tpu.memory_space<semaphore_mem>>)
        %add3A_58 = arith.constant 0 : i32
        %add3A_59 = arith.addi %add3A_30, %add3A_58 : i32
        %add3A_60 = arith.addi %mul3A_12, %add3A_59 : i32
        %mul3A_61 = arith.constant 128 : i32
        %mul3A_62 = arith.muli %add3A_60, %mul3A_61 : i32
        %dma_wait3A = tpu.memref_slice %arg3[%mul3A_62] : memref<328704xi32, #tpu.memory_space<hbm>> -> memref<128xi32, #tpu.memory_space<hbm>>
        %dma_wait3A_63 = tpu.memref_slice %arg3[%mul3A_62] : memref<328704xi32, #tpu.memory_space<hbm>> -> memref<128xi32, #tpu.memory_space<hbm>>
        tpu.wait_dma2 semaphore(%run_scoped3A_17 : memref<!tpu.dma_semaphore, #tpu.memory_space<semaphore_mem>>) src(%dma_wait3A_63 : memref<128xi32, #tpu.memory_space<hbm>>) dst(%arg6 : memref<128xi32, #tpu.memory_space<vmem>>)
        %dma_start3A_64 = arith.constant 0 : i32
        %dma_start3A_65 = arith.constant 0 : i32
        %dma_start3A_66 = tpu.memref_slice %arg2[%dma_start3A_64, %dma_start3A_65] : memref<10240x128xf32, #tpu.memory_space<hbm>> -> memref<10240x128xf32, #tpu.memory_space<hbm>>
        tpu.enqueue_indirect_dma source(%dma_start3A_66 : memref<10240x128xf32, #tpu.memory_space<hbm>>) target(%arg10 : memref<128x128xf32, #tpu.memory_space<vmem>>) offsets(%arg6 : memref<128xi32, #tpu.memory_space<vmem>>) semaphore(%run_scoped3A : memref<!tpu.dma_semaphore, #tpu.memory_space<semaphore_mem>>)
        %add3A_67 = arith.constant 1 : i32
        %add3A_68 = arith.addi %add3A_30, %add3A_67 : i32
        %add3A_69 = arith.addi %mul3A_12, %add3A_68 : i32
        %mul3A_70 = arith.constant 128 : i32
        %mul3A_71 = arith.muli %add3A_69, %mul3A_70 : i32
        %dma_wait3A_72 = tpu.memref_slice %arg3[%mul3A_71] : memref<328704xi32, #tpu.memory_space<hbm>> -> memref<128xi32, #tpu.memory_space<hbm>>
        %dma_wait3A_73 = tpu.memref_slice %arg3[%mul3A_71] : memref<328704xi32, #tpu.memory_space<hbm>> -> memref<128xi32, #tpu.memory_space<hbm>>
        tpu.wait_dma2 semaphore(%run_scoped3A_18 : memref<!tpu.dma_semaphore, #tpu.memory_space<semaphore_mem>>) src(%dma_wait3A_73 : memref<128xi32, #tpu.memory_space<hbm>>) dst(%arg7 : memref<128xi32, #tpu.memory_space<vmem>>)
        %dma_start3A_74 = arith.constant 0 : i32
        %dma_start3A_75 = arith.constant 0 : i32
        %dma_start3A_76 = tpu.memref_slice %arg2[%dma_start3A_74, %dma_start3A_75] : memref<10240x128xf32, #tpu.memory_space<hbm>> -> memref<10240x128xf32, #tpu.memory_space<hbm>>
        tpu.enqueue_indirect_dma source(%dma_start3A_76 : memref<10240x128xf32, #tpu.memory_space<hbm>>) target(%arg11 : memref<128x128xf32, #tpu.memory_space<vmem>>) offsets(%arg7 : memref<128xi32, #tpu.memory_space<vmem>>) semaphore(%run_scoped3A_16 : memref<!tpu.dma_semaphore, #tpu.memory_space<semaphore_mem>>)
        %add3A_77 = arith.constant 0 : i32
        %add3A_78 = arith.addi %add3A_30, %add3A_77 : i32
        %add3A_79 = arith.addi %mul3A_12, %add3A_78 : i32
        %mul3A_80 = arith.constant 128 : i32
        %mul3A_81 = arith.muli %add3A_79, %mul3A_80 : i32
        %dma_wait3A_82 = tpu.memref_slice %arg4[%mul3A_81] : memref<328704xi32, #tpu.memory_space<hbm>> -> memref<128xi32, #tpu.memory_space<hbm>>
        %dma_wait3A_83 = tpu.memref_slice %arg4[%mul3A_81] : memref<328704xi32, #tpu.memory_space<hbm>> -> memref<128xi32, #tpu.memory_space<hbm>>
        tpu.wait_dma2 semaphore(%run_scoped3A_19 : memref<!tpu.dma_semaphore, #tpu.memory_space<semaphore_mem>>) src(%dma_wait3A_83 : memref<128xi32, #tpu.memory_space<hbm>>) dst(%arg8 : memref<128xi32, #tpu.memory_space<vmem>>)
        %add3A_84 = arith.constant 1 : i32
        %add3A_85 = arith.addi %add3A_30, %add3A_84 : i32
        %add3A_86 = arith.addi %mul3A_12, %add3A_85 : i32
        %mul3A_87 = arith.constant 128 : i32
        %mul3A_88 = arith.muli %add3A_86, %mul3A_87 : i32
        %dma_wait3A_89 = tpu.memref_slice %arg4[%mul3A_88] : memref<328704xi32, #tpu.memory_space<hbm>> -> memref<128xi32, #tpu.memory_space<hbm>>
        %dma_wait3A_90 = tpu.memref_slice %arg4[%mul3A_88] : memref<328704xi32, #tpu.memory_space<hbm>> -> memref<128xi32, #tpu.memory_space<hbm>>
        tpu.wait_dma2 semaphore(%run_scoped3A_20 : memref<!tpu.dma_semaphore, #tpu.memory_space<semaphore_mem>>) src(%dma_wait3A_90 : memref<128xi32, #tpu.memory_space<hbm>>) dst(%arg9 : memref<128xi32, #tpu.memory_space<vmem>>)
        %dma_wait3A_91 = arith.constant 0 : i32
        %dma_wait3A_92 = arith.constant 0 : i32
        %dma_wait3A_93 = tpu.memref_slice %arg2[%dma_wait3A_91, %dma_wait3A_92] : memref<10240x128xf32, #tpu.memory_space<hbm>> -> memref<10240x128xf32, #tpu.memory_space<hbm>>
        tpu.wait_indirect_dma semaphore(%run_scoped3A : memref<!tpu.dma_semaphore, #tpu.memory_space<semaphore_mem>>) src(%dma_wait3A_93 : memref<10240x128xf32, #tpu.memory_space<hbm>>) dst(%arg10 : memref<128x128xf32, #tpu.memory_space<vmem>>)
        %dma_wait3A_94 = arith.constant 0 : i32
        %dma_wait3A_95 = arith.constant 0 : i32
        %dma_wait3A_96 = tpu.memref_slice %arg2[%dma_wait3A_94, %dma_wait3A_95] : memref<10240x128xf32, #tpu.memory_space<hbm>> -> memref<10240x128xf32, #tpu.memory_space<hbm>>
        tpu.wait_indirect_dma semaphore(%run_scoped3A_16 : memref<!tpu.dma_semaphore, #tpu.memory_space<semaphore_mem>>) src(%dma_wait3A_96 : memref<10240x128xf32, #tpu.memory_space<hbm>>) dst(%arg11 : memref<128x128xf32, #tpu.memory_space<vmem>>)
        %dma_start3A_97 = arith.constant 0 : i32
        %dma_start3A_98 = arith.constant 0 : i32
        %dma_start3A_99 = tpu.memref_slice %arg12[%dma_start3A_97, %dma_start3A_98] : memref<10240x128xf32, #tpu.memory_space<vmem_shared>> -> memref<10240x128xf32, #tpu.memory_space<vmem_shared>>
        tpu.enqueue_indirect_dma source(%arg10 : memref<128x128xf32, #tpu.memory_space<vmem>>) target(%dma_start3A_99 : memref<10240x128xf32, #tpu.memory_space<vmem_shared>>) offsets(%arg8 : memref<128xi32, #tpu.memory_space<vmem>>) semaphore(%run_scoped3A : memref<!tpu.dma_semaphore, #tpu.memory_space<semaphore_mem>>) {add = true}
        %dma_start3A_100 = arith.constant 0 : i32
        %dma_start3A_101 = arith.constant 0 : i32
        %dma_start3A_102 = tpu.memref_slice %arg12[%dma_start3A_100, %dma_start3A_101] : memref<10240x128xf32, #tpu.memory_space<vmem_shared>> -> memref<10240x128xf32, #tpu.memory_space<vmem_shared>>
        tpu.enqueue_indirect_dma source(%arg11 : memref<128x128xf32, #tpu.memory_space<vmem>>) target(%dma_start3A_102 : memref<10240x128xf32, #tpu.memory_space<vmem_shared>>) offsets(%arg9 : memref<128xi32, #tpu.memory_space<vmem>>) semaphore(%run_scoped3A_16 : memref<!tpu.dma_semaphore, #tpu.memory_space<semaphore_mem>>) {add = true}
        %dma_wait3A_103 = arith.constant 0 : i32
        %dma_wait3A_104 = arith.constant 0 : i32
        %dma_wait3A_105 = tpu.memref_slice %arg12[%dma_wait3A_103, %dma_wait3A_104] : memref<10240x128xf32, #tpu.memory_space<vmem_shared>> -> memref<10240x128xf32, #tpu.memory_space<vmem_shared>>
        tpu.wait_indirect_dma semaphore(%run_scoped3A : memref<!tpu.dma_semaphore, #tpu.memory_space<semaphore_mem>>) src(%arg10 : memref<128x128xf32, #tpu.memory_space<vmem>>) dst(%dma_wait3A_105 : memref<10240x128xf32, #tpu.memory_space<vmem_shared>>)
        %dma_wait3A_106 = arith.constant 0 : i32
        %dma_wait3A_107 = arith.constant 0 : i32
        %dma_wait3A_108 = tpu.memref_slice %arg12[%dma_wait3A_106, %dma_wait3A_107] : memref<10240x128xf32, #tpu.memory_space<vmem_shared>> -> memref<10240x128xf32, #tpu.memory_space<vmem_shared>>
        tpu.wait_indirect_dma semaphore(%run_scoped3A_16 : memref<!tpu.dma_semaphore, #tpu.memory_space<semaphore_mem>>) src(%arg11 : memref<128x128xf32, #tpu.memory_space<vmem>>) dst(%dma_wait3A_108 : memref<10240x128xf32, #tpu.memory_space<vmem_shared>>)
      }
      %scan3A_25 = arith.constant 40 : i32
      tpu.yield
    }) : () -> ()
    %barrier3A_13 = arith.constant 0 : index
    tpu.barrier barrier_id(%barrier3A_13)
    %mul3A_14 = arith.constant 640 : i32
    %mul3A_15 = arith.muli %arg1, %mul3A_14 : i32
    "tpu.region"() ({
      %run_scoped3A = tpu.sem_alloc : memref<!tpu.dma_semaphore, #tpu.memory_space<semaphore_mem>>
      %dma_start3A = arith.constant 0 : i32
      %dma_start3A_16 = tpu.memref_slice %arg5[%arg0, %mul3A_15, %dma_start3A] : memref<2x10240x128xf32, #tpu.memory_space<hbm>> -> memref<1x640x128xf32, #tpu.memory_space<hbm>>
      %dma_start3A_17 = tpu.memref_squeeze %dma_start3A_16 : memref<1x640x128xf32, #tpu.memory_space<hbm>> -> memref<640x128xf32, #tpu.memory_space<hbm>>
      %dma_start3A_18 = arith.constant 0 : i32
      %dma_start3A_19 = tpu.memref_slice %arg12[%mul3A_15, %dma_start3A_18] : memref<10240x128xf32, #tpu.memory_space<vmem_shared>> -> memref<640x128xf32, #tpu.memory_space<vmem_shared>>
      tpu.enqueue_dma source(%dma_start3A_19 : memref<640x128xf32, #tpu.memory_space<vmem_shared>>) target(%dma_start3A_17 : memref<640x128xf32, #tpu.memory_space<hbm>>) target_semaphore(%run_scoped3A : memref<!tpu.dma_semaphore, #tpu.memory_space<semaphore_mem>>)
      %dma_wait3A = arith.constant 0 : i32
      %dma_wait3A_20 = tpu.memref_slice %arg5[%arg0, %mul3A_15, %dma_wait3A] : memref<2x10240x128xf32, #tpu.memory_space<hbm>> -> memref<1x640x128xf32, #tpu.memory_space<hbm>>
      %dma_wait3A_21 = tpu.memref_squeeze %dma_wait3A_20 : memref<1x640x128xf32, #tpu.memory_space<hbm>> -> memref<640x128xf32, #tpu.memory_space<hbm>>
      %dma_wait3A_22 = arith.constant 0 : i32
      %dma_wait3A_23 = tpu.memref_slice %arg12[%mul3A_15, %dma_wait3A_22] : memref<10240x128xf32, #tpu.memory_space<vmem_shared>> -> memref<640x128xf32, #tpu.memory_space<vmem_shared>>
      tpu.wait_dma2 semaphore(%run_scoped3A : memref<!tpu.dma_semaphore, #tpu.memory_space<semaphore_mem>>) src(%dma_wait3A_23 : memref<640x128xf32, #tpu.memory_space<vmem_shared>>) dst(%dma_wait3A_21 : memref<640x128xf32, #tpu.memory_space<hbm>>)
      tpu.yield
    }) : () -> ()
    return
  }
}

#map = affine_map<(d0, d1) -> (0, 0)>
#map1 = affine_map<(d0, d1) -> (0)>
#map2 = affine_map<(d0, d1) -> (0, 0, 0)>
module attributes {stable_mosaic.version = 14 : i64} {
  func.func @_sc_segsum(%arg0: i32, %arg1: i32, %arg2: memref<10240x128xf32, #tpu.memory_space<hbm>>, %arg3: memref<328704xi32, #tpu.memory_space<hbm>>, %arg4: memref<328704xi32, #tpu.memory_space<hbm>>, %arg5: memref<2x10240x128xf32, #tpu.memory_space<hbm>>, %arg6: memref<128xi32, #tpu.memory_space<vmem>>, %arg7: memref<128xi32, #tpu.memory_space<vmem>>, %arg8: memref<128xi32, #tpu.memory_space<vmem>>, %arg9: memref<128xi32, #tpu.memory_space<vmem>>, %arg10: memref<128x128xf32, #tpu.memory_space<vmem>>, %arg11: memref<128x128xf32, #tpu.memory_space<vmem>>, %arg12: memref<10240x128xf32, #tpu.memory_space<vmem_shared>>) attributes {dimension_semantics = [#tpu.dimension_semantics<core_parallel>, #tpu.dimension_semantics<subcore_parallel>], iteration_bounds = array<i64: 2, 16>, scalar_prefetch = 0 : i64, scratch_operands = 7 : i64, tpu.core_type = #tpu.core_type<sc_vector_subcore>, window_params = [{transform_indices = #map}, {transform_indices = #map1}, {transform_indices = #map1}, {transform_indices = #map2}]} {
    %broadcast_in_dim3A = arith.constant 0.000000e+00 : f32
    %broadcast_in_dim3A_0 = vector.broadcast %broadcast_in_dim3A : f32 to vector<16xf32>
    %scan3A = arith.constant 0 : i32
    %scan3A_1 = arith.constant 128 : i32
    %scan3A_2 = arith.addi %scan3A, %scan3A_1 : i32
    %scan3A_3 = arith.constant 1 : i32
    scf.for %scan3A_16 = %scan3A to %scan3A_2 step %scan3A_3  : i32 {
      %mul3A_17 = arith.constant 1 : i32
      %mul3A_18 = arith.muli %scan3A_16, %mul3A_17 : i32
      %add3A_19 = arith.constant 0 : i32
      %add3A_20 = arith.addi %add3A_19, %mul3A_18 : i32
      %scan3A_21 = arith.constant 0 : i32
      %scan3A_22 = arith.constant 8 : i32
      %scan3A_23 = arith.addi %scan3A_21, %scan3A_22 : i32
      %scan3A_24 = arith.constant 1 : i32
      scf.for %scan3A_26 = %scan3A_21 to %scan3A_23 step %scan3A_24  : i32 {
        %mul3A_27 = arith.constant 1 : i32
        %mul3A_28 = arith.muli %scan3A_26, %mul3A_27 : i32
        %add3A_29 = arith.constant 0 : i32
        %add3A_30 = arith.addi %add3A_29, %mul3A_28 : i32
        %mul3A_31 = arith.constant 16 : i32
        %mul3A_32 = arith.muli %add3A_30, %mul3A_31 : i32
        %swap3A = arith.index_cast %add3A_20 : i32 to index
        %swap3A_33 = arith.index_cast %mul3A_32 : i32 to index
        %swap3A_34 = tpu.vector_load %arg10[%swap3A, %swap3A_33] {strides = array<i32>} : memref<128x128xf32, #tpu.memory_space<vmem>>, vector<1x16xf32>,
        %swap3A_35 = vector.shape_cast %swap3A_34 : vector<1x16xf32> to vector<16xf32>
        %swap3A_36 = vector.shape_cast %broadcast_in_dim3A_0 : vector<16xf32> to vector<1x16xf32>
        tpu.vector_store %arg10[%swap3A, %swap3A_33], %swap3A_36 {strides = array<i32>} : memref<128x128xf32, #tpu.memory_space<vmem>>, vector<1x16xf32>,
      }
      %scan3A_25 = arith.constant 8 : i32
    }
    %scan3A_4 = arith.constant 128 : i32
    %scan3A_5 = arith.constant 0 : i32
    %scan3A_6 = arith.constant 5 : i32
    %scan3A_7 = arith.addi %scan3A_5, %scan3A_6 : i32
    %scan3A_8 = arith.constant 1 : i32
    scf.for %scan3A_16 = %scan3A_5 to %scan3A_7 step %scan3A_8  : i32 {
      %mul3A_17 = arith.constant 1 : i32
      %mul3A_18 = arith.muli %scan3A_16, %mul3A_17 : i32
      %add3A_19 = arith.constant 0 : i32
      %add3A_20 = arith.addi %add3A_19, %mul3A_18 : i32
      %mul3A_21 = arith.constant 640 : i32
      %mul3A_22 = arith.muli %arg1, %mul3A_21 : i32
      %mul3A_23 = arith.constant 128 : i32
      %mul3A_24 = arith.muli %add3A_20, %mul3A_23 : i32
      %add3A_25 = arith.addi %mul3A_22, %mul3A_24 : i32
      "tpu.region"() ({
        %run_scoped3A = tpu.sem_alloc : memref<!tpu.dma_semaphore, #tpu.memory_space<semaphore_mem>>
        %dma_start3A = arith.constant 0 : i32
        %dma_start3A_26 = tpu.memref_slice %arg12[%add3A_25, %dma_start3A] : memref<10240x128xf32, #tpu.memory_space<vmem_shared>> -> memref<128x128xf32, #tpu.memory_space<vmem_shared>>
        %dma_start3A_27 = arith.constant 0 : i32
        %dma_start3A_28 = tpu.memref_slice %arg12[%add3A_25, %dma_start3A_27] : memref<10240x128xf32, #tpu.memory_space<vmem_shared>> -> memref<128x128xf32, #tpu.memory_space<vmem_shared>>
        tpu.enqueue_dma source(%arg10 : memref<128x128xf32, #tpu.memory_space<vmem>>) target(%dma_start3A_28 : memref<128x128xf32, #tpu.memory_space<vmem_shared>>) target_semaphore(%run_scoped3A : memref<!tpu.dma_semaphore, #tpu.memory_space<semaphore_mem>>)
        %dma_wait3A = arith.constant 0 : i32
        %dma_wait3A_29 = tpu.memref_slice %arg12[%add3A_25, %dma_wait3A] : memref<10240x128xf32, #tpu.memory_space<vmem_shared>> -> memref<128x128xf32, #tpu.memory_space<vmem_shared>>
        %dma_wait3A_30 = arith.constant 0 : i32
        %dma_wait3A_31 = tpu.memref_slice %arg12[%add3A_25, %dma_wait3A_30] : memref<10240x128xf32, #tpu.memory_space<vmem_shared>> -> memref<128x128xf32, #tpu.memory_space<vmem_shared>>
        tpu.wait_dma2 semaphore(%run_scoped3A : memref<!tpu.dma_semaphore, #tpu.memory_space<semaphore_mem>>) src(%arg10 : memref<128x128xf32, #tpu.memory_space<vmem>>) dst(%dma_wait3A_31 : memref<128x128xf32, #tpu.memory_space<vmem_shared>>)
        tpu.yield
      }) : () -> ()
    }
    %scan3A_9 = arith.constant 5 : i32
    %mul3A = arith.constant 16 : i32
    %mul3A_10 = arith.muli %arg0, %mul3A : i32
    %add3A = arith.addi %mul3A_10, %arg1 : i32
    %mul3A_11 = arith.constant 80 : i32
    %mul3A_12 = arith.muli %add3A, %mul3A_11 : i32
    %barrier3A = arith.constant 0 : index
    tpu.barrier barrier_id(%barrier3A)
    "tpu.region"() ({
      %run_scoped3A = tpu.sem_alloc : memref<!tpu.dma_semaphore, #tpu.memory_space<semaphore_mem>>
      %run_scoped3A_16 = tpu.sem_alloc : memref<!tpu.dma_semaphore, #tpu.memory_space<semaphore_mem>>
      %run_scoped3A_17 = tpu.sem_alloc : memref<!tpu.dma_semaphore, #tpu.memory_space<semaphore_mem>>
      %run_scoped3A_18 = tpu.sem_alloc : memref<!tpu.dma_semaphore, #tpu.memory_space<semaphore_mem>>
      %run_scoped3A_19 = tpu.sem_alloc : memref<!tpu.dma_semaphore, #tpu.memory_space<semaphore_mem>>
      %run_scoped3A_20 = tpu.sem_alloc : memref<!tpu.dma_semaphore, #tpu.memory_space<semaphore_mem>>
      %scan3A_21 = arith.constant 0 : i32
      %scan3A_22 = arith.constant 40 : i32
      %scan3A_23 = arith.addi %scan3A_21, %scan3A_22 : i32
      %scan3A_24 = arith.constant 1 : i32
      scf.for %scan3A_26 = %scan3A_21 to %scan3A_23 step %scan3A_24  : i32 {
        %mul3A_27 = arith.constant 2 : i32
        %mul3A_28 = arith.muli %scan3A_26, %mul3A_27 : i32
        %add3A_29 = arith.constant 0 : i32
        %add3A_30 = arith.addi %add3A_29, %mul3A_28 : i32
        %add3A_31 = arith.constant 0 : i32
        %add3A_32 = arith.addi %add3A_30, %add3A_31 : i32
        %add3A_33 = arith.addi %mul3A_12, %add3A_32 : i32
        %mul3A_34 = arith.constant 128 : i32
        %mul3A_35 = arith.muli %add3A_33, %mul3A_34 : i32
        %dma_start3A = tpu.memref_slice %arg3[%mul3A_35] : memref<328704xi32, #tpu.memory_space<hbm>> -> memref<128xi32, #tpu.memory_space<hbm>>
        %dma_start3A_36 = tpu.memref_slice %arg3[%mul3A_35] : memref<328704xi32, #tpu.memory_space<hbm>> -> memref<128xi32, #tpu.memory_space<hbm>>
        tpu.enqueue_dma source(%dma_start3A_36 : memref<128xi32, #tpu.memory_space<hbm>>) target(%arg6 : memref<128xi32, #tpu.memory_space<vmem>>) target_semaphore(%run_scoped3A_17 : memref<!tpu.dma_semaphore, #tpu.memory_space<semaphore_mem>>)
        %add3A_37 = arith.constant 0 : i32
        %add3A_38 = arith.addi %add3A_30, %add3A_37 : i32
        %add3A_39 = arith.addi %mul3A_12, %add3A_38 : i32
        %mul3A_40 = arith.constant 128 : i32
        %mul3A_41 = arith.muli %add3A_39, %mul3A_40 : i32
        %dma_start3A_42 = tpu.memref_slice %arg4[%mul3A_41] : memref<328704xi32, #tpu.memory_space<hbm>> -> memref<128xi32, #tpu.memory_space<hbm>>
        %dma_start3A_43 = tpu.memref_slice %arg4[%mul3A_41] : memref<328704xi32, #tpu.memory_space<hbm>> -> memref<128xi32, #tpu.memory_space<hbm>>
        tpu.enqueue_dma source(%dma_start3A_43 : memref<128xi32, #tpu.memory_space<hbm>>) target(%arg8 : memref<128xi32, #tpu.memory_space<vmem>>) target_semaphore(%run_scoped3A_19 : memref<!tpu.dma_semaphore, #tpu.memory_space<semaphore_mem>>)
        %add3A_44 = arith.constant 1 : i32
        %add3A_45 = arith.addi %add3A_30, %add3A_44 : i32
        %add3A_46 = arith.addi %mul3A_12, %add3A_45 : i32
        %mul3A_47 = arith.constant 128 : i32
        %mul3A_48 = arith.muli %add3A_46, %mul3A_47 : i32
        %dma_start3A_49 = tpu.memref_slice %arg3[%mul3A_48] : memref<328704xi32, #tpu.memory_space<hbm>> -> memref<128xi32, #tpu.memory_space<hbm>>
        %dma_start3A_50 = tpu.memref_slice %arg3[%mul3A_48] : memref<328704xi32, #tpu.memory_space<hbm>> -> memref<128xi32, #tpu.memory_space<hbm>>
        tpu.enqueue_dma source(%dma_start3A_50 : memref<128xi32, #tpu.memory_space<hbm>>) target(%arg7 : memref<128xi32, #tpu.memory_space<vmem>>) target_semaphore(%run_scoped3A_18 : memref<!tpu.dma_semaphore, #tpu.memory_space<semaphore_mem>>)
        %add3A_51 = arith.constant 1 : i32
        %add3A_52 = arith.addi %add3A_30, %add3A_51 : i32
        %add3A_53 = arith.addi %mul3A_12, %add3A_52 : i32
        %mul3A_54 = arith.constant 128 : i32
        %mul3A_55 = arith.muli %add3A_53, %mul3A_54 : i32
        %dma_start3A_56 = tpu.memref_slice %arg4[%mul3A_55] : memref<328704xi32, #tpu.memory_space<hbm>> -> memref<128xi32, #tpu.memory_space<hbm>>
        %dma_start3A_57 = tpu.memref_slice %arg4[%mul3A_55] : memref<328704xi32, #tpu.memory_space<hbm>> -> memref<128xi32, #tpu.memory_space<hbm>>
        tpu.enqueue_dma source(%dma_start3A_57 : memref<128xi32, #tpu.memory_space<hbm>>) target(%arg9 : memref<128xi32, #tpu.memory_space<vmem>>) target_semaphore(%run_scoped3A_20 : memref<!tpu.dma_semaphore, #tpu.memory_space<semaphore_mem>>)
        %add3A_58 = arith.constant 0 : i32
        %add3A_59 = arith.addi %add3A_30, %add3A_58 : i32
        %add3A_60 = arith.addi %mul3A_12, %add3A_59 : i32
        %mul3A_61 = arith.constant 128 : i32
        %mul3A_62 = arith.muli %add3A_60, %mul3A_61 : i32
        %dma_wait3A = tpu.memref_slice %arg3[%mul3A_62] : memref<328704xi32, #tpu.memory_space<hbm>> -> memref<128xi32, #tpu.memory_space<hbm>>
        %dma_wait3A_63 = tpu.memref_slice %arg3[%mul3A_62] : memref<328704xi32, #tpu.memory_space<hbm>> -> memref<128xi32, #tpu.memory_space<hbm>>
        tpu.wait_dma2 semaphore(%run_scoped3A_17 : memref<!tpu.dma_semaphore, #tpu.memory_space<semaphore_mem>>) src(%dma_wait3A_63 : memref<128xi32, #tpu.memory_space<hbm>>) dst(%arg6 : memref<128xi32, #tpu.memory_space<vmem>>)
        %dma_start3A_64 = arith.constant 0 : i32
        %dma_start3A_65 = arith.constant 0 : i32
        %dma_start3A_66 = tpu.memref_slice %arg2[%dma_start3A_64, %dma_start3A_65] : memref<10240x128xf32, #tpu.memory_space<hbm>> -> memref<10240x128xf32, #tpu.memory_space<hbm>>
        tpu.enqueue_indirect_dma source(%dma_start3A_66 : memref<10240x128xf32, #tpu.memory_space<hbm>>) target(%arg10 : memref<128x128xf32, #tpu.memory_space<vmem>>) offsets(%arg6 : memref<128xi32, #tpu.memory_space<vmem>>) semaphore(%run_scoped3A : memref<!tpu.dma_semaphore, #tpu.memory_space<semaphore_mem>>)
        %add3A_67 = arith.constant 1 : i32
        %add3A_68 = arith.addi %add3A_30, %add3A_67 : i32
        %add3A_69 = arith.addi %mul3A_12, %add3A_68 : i32
        %mul3A_70 = arith.constant 128 : i32
        %mul3A_71 = arith.muli %add3A_69, %mul3A_70 : i32
        %dma_wait3A_72 = tpu.memref_slice %arg3[%mul3A_71] : memref<328704xi32, #tpu.memory_space<hbm>> -> memref<128xi32, #tpu.memory_space<hbm>>
        %dma_wait3A_73 = tpu.memref_slice %arg3[%mul3A_71] : memref<328704xi32, #tpu.memory_space<hbm>> -> memref<128xi32, #tpu.memory_space<hbm>>
        tpu.wait_dma2 semaphore(%run_scoped3A_18 : memref<!tpu.dma_semaphore, #tpu.memory_space<semaphore_mem>>) src(%dma_wait3A_73 : memref<128xi32, #tpu.memory_space<hbm>>) dst(%arg7 : memref<128xi32, #tpu.memory_space<vmem>>)
        %dma_start3A_74 = arith.constant 0 : i32
        %dma_start3A_75 = arith.constant 0 : i32
        %dma_start3A_76 = tpu.memref_slice %arg2[%dma_start3A_74, %dma_start3A_75] : memref<10240x128xf32, #tpu.memory_space<hbm>> -> memref<10240x128xf32, #tpu.memory_space<hbm>>
        tpu.enqueue_indirect_dma source(%dma_start3A_76 : memref<10240x128xf32, #tpu.memory_space<hbm>>) target(%arg11 : memref<128x128xf32, #tpu.memory_space<vmem>>) offsets(%arg7 : memref<128xi32, #tpu.memory_space<vmem>>) semaphore(%run_scoped3A_16 : memref<!tpu.dma_semaphore, #tpu.memory_space<semaphore_mem>>)
        %add3A_77 = arith.constant 0 : i32
        %add3A_78 = arith.addi %add3A_30, %add3A_77 : i32
        %add3A_79 = arith.addi %mul3A_12, %add3A_78 : i32
        %mul3A_80 = arith.constant 128 : i32
        %mul3A_81 = arith.muli %add3A_79, %mul3A_80 : i32
        %dma_wait3A_82 = tpu.memref_slice %arg4[%mul3A_81] : memref<328704xi32, #tpu.memory_space<hbm>> -> memref<128xi32, #tpu.memory_space<hbm>>
        %dma_wait3A_83 = tpu.memref_slice %arg4[%mul3A_81] : memref<328704xi32, #tpu.memory_space<hbm>> -> memref<128xi32, #tpu.memory_space<hbm>>
        tpu.wait_dma2 semaphore(%run_scoped3A_19 : memref<!tpu.dma_semaphore, #tpu.memory_space<semaphore_mem>>) src(%dma_wait3A_83 : memref<128xi32, #tpu.memory_space<hbm>>) dst(%arg8 : memref<128xi32, #tpu.memory_space<vmem>>)
        %add3A_84 = arith.constant 1 : i32
        %add3A_85 = arith.addi %add3A_30, %add3A_84 : i32
        %add3A_86 = arith.addi %mul3A_12, %add3A_85 : i32
        %mul3A_87 = arith.constant 128 : i32
        %mul3A_88 = arith.muli %add3A_86, %mul3A_87 : i32
        %dma_wait3A_89 = tpu.memref_slice %arg4[%mul3A_88] : memref<328704xi32, #tpu.memory_space<hbm>> -> memref<128xi32, #tpu.memory_space<hbm>>
        %dma_wait3A_90 = tpu.memref_slice %arg4[%mul3A_88] : memref<328704xi32, #tpu.memory_space<hbm>> -> memref<128xi32, #tpu.memory_space<hbm>>
        tpu.wait_dma2 semaphore(%run_scoped3A_20 : memref<!tpu.dma_semaphore, #tpu.memory_space<semaphore_mem>>) src(%dma_wait3A_90 : memref<128xi32, #tpu.memory_space<hbm>>) dst(%arg9 : memref<128xi32, #tpu.memory_space<vmem>>)
        %dma_wait3A_91 = arith.constant 0 : i32
        %dma_wait3A_92 = arith.constant 0 : i32
        %dma_wait3A_93 = tpu.memref_slice %arg2[%dma_wait3A_91, %dma_wait3A_92] : memref<10240x128xf32, #tpu.memory_space<hbm>> -> memref<10240x128xf32, #tpu.memory_space<hbm>>
        tpu.wait_indirect_dma semaphore(%run_scoped3A : memref<!tpu.dma_semaphore, #tpu.memory_space<semaphore_mem>>) src(%dma_wait3A_93 : memref<10240x128xf32, #tpu.memory_space<hbm>>) dst(%arg10 : memref<128x128xf32, #tpu.memory_space<vmem>>)
        %dma_wait3A_94 = arith.constant 0 : i32
        %dma_wait3A_95 = arith.constant 0 : i32
        %dma_wait3A_96 = tpu.memref_slice %arg2[%dma_wait3A_94, %dma_wait3A_95] : memref<10240x128xf32, #tpu.memory_space<hbm>> -> memref<10240x128xf32, #tpu.memory_space<hbm>>
        tpu.wait_indirect_dma semaphore(%run_scoped3A_16 : memref<!tpu.dma_semaphore, #tpu.memory_space<semaphore_mem>>) src(%dma_wait3A_96 : memref<10240x128xf32, #tpu.memory_space<hbm>>) dst(%arg11 : memref<128x128xf32, #tpu.memory_space<vmem>>)
        %dma_start3A_97 = arith.constant 0 : i32
        %dma_start3A_98 = arith.constant 0 : i32
        %dma_start3A_99 = tpu.memref_slice %arg12[%dma_start3A_97, %dma_start3A_98] : memref<10240x128xf32, #tpu.memory_space<vmem_shared>> -> memref<10240x128xf32, #tpu.memory_space<vmem_shared>>
        tpu.enqueue_indirect_dma source(%arg10 : memref<128x128xf32, #tpu.memory_space<vmem>>) target(%dma_start3A_99 : memref<10240x128xf32, #tpu.memory_space<vmem_shared>>) offsets(%arg8 : memref<128xi32, #tpu.memory_space<vmem>>) semaphore(%run_scoped3A : memref<!tpu.dma_semaphore, #tpu.memory_space<semaphore_mem>>) {add = true}
        %dma_start3A_100 = arith.constant 0 : i32
        %dma_start3A_101 = arith.constant 0 : i32
        %dma_start3A_102 = tpu.memref_slice %arg12[%dma_start3A_100, %dma_start3A_101] : memref<10240x128xf32, #tpu.memory_space<vmem_shared>> -> memref<10240x128xf32, #tpu.memory_space<vmem_shared>>
        tpu.enqueue_indirect_dma source(%arg11 : memref<128x128xf32, #tpu.memory_space<vmem>>) target(%dma_start3A_102 : memref<10240x128xf32, #tpu.memory_space<vmem_shared>>) offsets(%arg9 : memref<128xi32, #tpu.memory_space<vmem>>) semaphore(%run_scoped3A_16 : memref<!tpu.dma_semaphore, #tpu.memory_space<semaphore_mem>>) {add = true}
        %dma_wait3A_103 = arith.constant 0 : i32
        %dma_wait3A_104 = arith.constant 0 : i32
        %dma_wait3A_105 = tpu.memref_slice %arg12[%dma_wait3A_103, %dma_wait3A_104] : memref<10240x128xf32, #tpu.memory_space<vmem_shared>> -> memref<10240x128xf32, #tpu.memory_space<vmem_shared>>
        tpu.wait_indirect_dma semaphore(%run_scoped3A : memref<!tpu.dma_semaphore, #tpu.memory_space<semaphore_mem>>) src(%arg10 : memref<128x128xf32, #tpu.memory_space<vmem>>) dst(%dma_wait3A_105 : memref<10240x128xf32, #tpu.memory_space<vmem_shared>>)
        %dma_wait3A_106 = arith.constant 0 : i32
        %dma_wait3A_107 = arith.constant 0 : i32
        %dma_wait3A_108 = tpu.memref_slice %arg12[%dma_wait3A_106, %dma_wait3A_107] : memref<10240x128xf32, #tpu.memory_space<vmem_shared>> -> memref<10240x128xf32, #tpu.memory_space<vmem_shared>>
        tpu.wait_indirect_dma semaphore(%run_scoped3A_16 : memref<!tpu.dma_semaphore, #tpu.memory_space<semaphore_mem>>) src(%arg11 : memref<128x128xf32, #tpu.memory_space<vmem>>) dst(%dma_wait3A_108 : memref<10240x128xf32, #tpu.memory_space<vmem_shared>>)
      }
      %scan3A_25 = arith.constant 40 : i32
      tpu.yield
    }) : () -> ()
    %barrier3A_13 = arith.constant 0 : index
    tpu.barrier barrier_id(%barrier3A_13)
    %mul3A_14 = arith.constant 640 : i32
    %mul3A_15 = arith.muli %arg1, %mul3A_14 : i32
    "tpu.region"() ({
      %run_scoped3A = tpu.sem_alloc : memref<!tpu.dma_semaphore, #tpu.memory_space<semaphore_mem>>
      %dma_start3A = arith.constant 0 : i32
      %dma_start3A_16 = tpu.memref_slice %arg5[%arg0, %mul3A_15, %dma_start3A] : memref<2x10240x128xf32, #tpu.memory_space<hbm>> -> memref<1x640x128xf32, #tpu.memory_space<hbm>>
      %dma_start3A_17 = tpu.memref_squeeze %dma_start3A_16 : memref<1x640x128xf32, #tpu.memory_space<hbm>> -> memref<640x128xf32, #tpu.memory_space<hbm>>
      %dma_start3A_18 = arith.constant 0 : i32
      %dma_start3A_19 = tpu.memref_slice %arg12[%mul3A_15, %dma_start3A_18] : memref<10240x128xf32, #tpu.memory_space<vmem_shared>> -> memref<640x128xf32, #tpu.memory_space<vmem_shared>>
      tpu.enqueue_dma source(%dma_start3A_19 : memref<640x128xf32, #tpu.memory_space<vmem_shared>>) target(%dma_start3A_17 : memref<640x128xf32, #tpu.memory_space<hbm>>) target_semaphore(%run_scoped3A : memref<!tpu.dma_semaphore, #tpu.memory_space<semaphore_mem>>)
      %dma_wait3A = arith.constant 0 : i32
      %dma_wait3A_20 = tpu.memref_slice %arg5[%arg0, %mul3A_15, %dma_wait3A] : memref<2x10240x128xf32, #tpu.memory_space<hbm>> -> memref<1x640x128xf32, #tpu.memory_space<hbm>>
      %dma_wait3A_21 = tpu.memref_squeeze %dma_wait3A_20 : memref<1x640x128xf32, #tpu.memory_space<hbm>> -> memref<640x128xf32, #tpu.memory_space<hbm>>
      %dma_wait3A_22 = arith.constant 0 : i32
      %dma_wait3A_23 = tpu.memref_slice %arg12[%mul3A_15, %dma_wait3A_22] : memref<10240x128xf32, #tpu.memory_space<vmem_shared>> -> memref<640x128xf32, #tpu.memory_space<vmem_shared>>
      tpu.wait_dma2 semaphore(%run_scoped3A : memref<!tpu.dma_semaphore, #tpu.memory_space<semaphore_mem>>) src(%dma_wait3A_23 : memref<640x128xf32, #tpu.memory_space<vmem_shared>>) dst(%dma_wait3A_21 : memref<640x128xf32, #tpu.memory_space<hbm>>)
      tpu.yield
    }) : () -> ()
    return
  }
}

module attributes {stable_mosaic.version = 14 : i64} {
  func.func @_tc_first(%arg0: memref<2x10240x1xf32, #tpu.memory_space<vmem>>, %arg1: memref<10000x128xf32, #tpu.memory_space<vmem>>, %arg2: memref<128x128xf32, #tpu.memory_space<vmem>>, %arg3: memref<10240x128xf32, #tpu.memory_space<vmem>>, %arg4: memref<10000x1xf32, #tpu.memory_space<vmem>>) attributes {dimension_semantics = [], scalar_prefetch = 0 : i64, scratch_operands = 0 : i64, tpu.core_type = #tpu.core_type<tc>} {
    %get3A = arith.constant 0 : index
    %get3A_0 = arith.constant 0 : index
    %get3A_1 = arith.constant 0 : index
    %get3A_2 = vector.load %arg0[%get3A, %get3A_0, %get3A_1] : memref<2x10240x1xf32, #tpu.memory_space<vmem>>, vector<1x10000x1xf32>
    %get3A_3 = vector.shape_cast %get3A_2 : vector<1x10000x1xf32> to vector<10000x1xf32>
    %add3A = arith.constant 1.000000e+00 : f32
    %add3A_4 = vector.broadcast %add3A : f32 to vector<10000x1xf32>
    %add3A_5 = arith.addf %add3A_4, %get3A_3 : vector<10000x1xf32>
    %get3A_6 = arith.constant 1 : index
    %get3A_7 = arith.constant 0 : index
    %get3A_8 = arith.constant 0 : index
    %get3A_9 = vector.load %arg0[%get3A_6, %get3A_7, %get3A_8] : memref<2x10240x1xf32, #tpu.memory_space<vmem>>, vector<1x10000x1xf32>
    %get3A_10 = vector.shape_cast %get3A_9 : vector<1x10000x1xf32> to vector<10000x1xf32>
    %add3A_11 = arith.addf %add3A_5, %get3A_10 : vector<10000x1xf32>
    %rsqrt3A = math.rsqrt %add3A_11 : vector<10000x1xf32>
    %get3A_12 = arith.constant 0 : index
    %get3A_13 = arith.constant 0 : index
    %get3A_14 = vector.load %arg1[%get3A_12, %get3A_13] : memref<10000x128xf32, #tpu.memory_space<vmem>>, vector<10000x128xf32>
    %get3A_15 = arith.constant 0 : index
    %get3A_16 = arith.constant 0 : index
    %get3A_17 = vector.load %arg2[%get3A_15, %get3A_16] : memref<128x128xf32, #tpu.memory_space<vmem>>, vector<128x128xf32>
    %dot_general3A = arith.constant dense<0.000000e+00> : vector<10000x128xf32>
    %dot_general3A_18 = tpu.matmul %get3A_14, %get3A_17, %dot_general3A {dimension_numbers = #tpu.dot_dimension_numbers<[1], [0], [0], [1], [0, 0, 1, 1], [], []>, transpose_lhs_hint = false} : vector<10000x128xf32>, vector<128x128xf32>, vector<10000x128xf32> -> vector<10000x128xf32>
    %mul3A = vector.broadcast %rsqrt3A : vector<10000x1xf32> to vector<10000x128xf32>
    %mul3A_19 = arith.mulf %mul3A, %dot_general3A_18 : vector<10000x128xf32>
    %swap3A = arith.constant 0 : index
    %swap3A_20 = arith.constant 0 : index
    %swap3A_21 = vector.load %arg3[%swap3A, %swap3A_20] : memref<10240x128xf32, #tpu.memory_space<vmem>>, vector<10000x128xf32>
    tpu.vector_store %arg3[%swap3A, %swap3A_20], %mul3A_19 {strides = array<i32>} : memref<10240x128xf32, #tpu.memory_space<vmem>>, vector<10000x128xf32>,
    %broadcast_in_dim3A = arith.constant 0.000000e+00 : f32
    %broadcast_in_dim3A_22 = vector.broadcast %broadcast_in_dim3A : f32 to vector<240x128xf32>
    %swap3A_23 = arith.constant 10000 : index
    %swap3A_24 = arith.constant 0 : index
    %swap3A_25 = vector.load %arg3[%swap3A_23, %swap3A_24] : memref<10240x128xf32, #tpu.memory_space<vmem>>, vector<240x128xf32>
    tpu.vector_store %arg3[%swap3A_23, %swap3A_24], %broadcast_in_dim3A_22 {strides = array<i32>} : memref<10240x128xf32, #tpu.memory_space<vmem>>, vector<240x128xf32>,
    %swap3A_26 = arith.constant 0 : index
    %swap3A_27 = arith.constant 0 : index
    %swap3A_28 = vector.load %arg4[%swap3A_26, %swap3A_27] : memref<10000x1xf32, #tpu.memory_space<vmem>>, vector<10000x1xf32>
    tpu.vector_store %arg4[%swap3A_26, %swap3A_27], %rsqrt3A {strides = array<i32>} : memref<10000x1xf32, #tpu.memory_space<vmem>>, vector<10000x1xf32>,
    return
  }
}

module attributes {stable_mosaic.version = 14 : i64} {
  func.func @_tc_mid(%arg0: memref<2x10240x128xf32, #tpu.memory_space<vmem>>, %arg1: memref<10240x128xf32, #tpu.memory_space<vmem>>, %arg2: memref<10000x1xf32, #tpu.memory_space<vmem>>, %arg3: memref<1x128xf32, #tpu.memory_space<vmem>>, %arg4: memref<128x128xf32, #tpu.memory_space<vmem>>, %arg5: memref<10240x128xf32, #tpu.memory_space<vmem>>) attributes {dimension_semantics = [], scalar_prefetch = 0 : i64, scratch_operands = 0 : i64, tpu.core_type = #tpu.core_type<tc>} {
    %get3A = arith.constant 0 : index
    %get3A_0 = arith.constant 0 : index
    %get3A_1 = vector.load %arg2[%get3A, %get3A_0] : memref<10000x1xf32, #tpu.memory_space<vmem>>, vector<10000x1xf32>
    %get3A_2 = arith.constant 0 : index
    %get3A_3 = arith.constant 0 : index
    %get3A_4 = arith.constant 0 : index
    %get3A_5 = vector.load %arg0[%get3A_2, %get3A_3, %get3A_4] : memref<2x10240x128xf32, #tpu.memory_space<vmem>>, vector<1x10000x128xf32>
    %get3A_6 = vector.shape_cast %get3A_5 : vector<1x10000x128xf32> to vector<10000x128xf32>
    %get3A_7 = arith.constant 1 : index
    %get3A_8 = arith.constant 0 : index
    %get3A_9 = arith.constant 0 : index
    %get3A_10 = vector.load %arg0[%get3A_7, %get3A_8, %get3A_9] : memref<2x10240x128xf32, #tpu.memory_space<vmem>>, vector<1x10000x128xf32>
    %get3A_11 = vector.shape_cast %get3A_10 : vector<1x10000x128xf32> to vector<10000x128xf32>
    %add3A = arith.addf %get3A_6, %get3A_11 : vector<10000x128xf32>
    %get3A_12 = arith.constant 0 : index
    %get3A_13 = arith.constant 0 : index
    %get3A_14 = vector.load %arg1[%get3A_12, %get3A_13] : memref<10240x128xf32, #tpu.memory_space<vmem>>, vector<10000x128xf32>
    %add3A_15 = arith.addf %add3A, %get3A_14 : vector<10000x128xf32>
    %mul3A = vector.broadcast %get3A_1 : vector<10000x1xf32> to vector<10000x128xf32>
    %mul3A_16 = arith.mulf %mul3A, %add3A_15 : vector<10000x128xf32>
    %get3A_17 = arith.constant 0 : index
    %get3A_18 = arith.constant 0 : index
    %get3A_19 = vector.load %arg3[%get3A_17, %get3A_18] : memref<1x128xf32, #tpu.memory_space<vmem>>, vector<1x128xf32>
    %add3A_20 = vector.broadcast %get3A_19 : vector<1x128xf32> to vector<10000x128xf32>
    %add3A_21 = arith.addf %mul3A_16, %add3A_20 : vector<10000x128xf32>
    %max3A = arith.constant 0.000000e+00 : f32
    %max3A_22 = vector.broadcast %max3A : f32 to vector<10000x128xf32>
    %max3A_23 = arith.maximumf %add3A_21, %max3A_22 : vector<10000x128xf32>
    %get3A_24 = arith.constant 0 : index
    %get3A_25 = arith.constant 0 : index
    %get3A_26 = vector.load %arg4[%get3A_24, %get3A_25] : memref<128x128xf32, #tpu.memory_space<vmem>>, vector<128x128xf32>
    %dot_general3A = arith.constant dense<0.000000e+00> : vector<10000x128xf32>
    %dot_general3A_27 = tpu.matmul %max3A_23, %get3A_26, %dot_general3A {dimension_numbers = #tpu.dot_dimension_numbers<[1], [0], [0], [1], [0, 0, 1, 1], [], []>, transpose_lhs_hint = false} : vector<10000x128xf32>, vector<128x128xf32>, vector<10000x128xf32> -> vector<10000x128xf32>
    %mul3A_28 = vector.broadcast %get3A_1 : vector<10000x1xf32> to vector<10000x128xf32>
    %mul3A_29 = arith.mulf %mul3A_28, %dot_general3A_27 : vector<10000x128xf32>
    %swap3A = arith.constant 0 : index
    %swap3A_30 = arith.constant 0 : index
    %swap3A_31 = vector.load %arg5[%swap3A, %swap3A_30] : memref<10240x128xf32, #tpu.memory_space<vmem>>, vector<10000x128xf32>
    tpu.vector_store %arg5[%swap3A, %swap3A_30], %mul3A_29 {strides = array<i32>} : memref<10240x128xf32, #tpu.memory_space<vmem>>, vector<10000x128xf32>,
    %broadcast_in_dim3A = arith.constant 0.000000e+00 : f32
    %broadcast_in_dim3A_32 = vector.broadcast %broadcast_in_dim3A : f32 to vector<240x128xf32>
    %swap3A_33 = arith.constant 10000 : index
    %swap3A_34 = arith.constant 0 : index
    %swap3A_35 = vector.load %arg5[%swap3A_33, %swap3A_34] : memref<10240x128xf32, #tpu.memory_space<vmem>>, vector<240x128xf32>
    tpu.vector_store %arg5[%swap3A_33, %swap3A_34], %broadcast_in_dim3A_32 {strides = array<i32>} : memref<10240x128xf32, #tpu.memory_space<vmem>>, vector<240x128xf32>,
    return
  }
}

module attributes {stable_mosaic.version = 14 : i64} {
  func.func @_tc_head(%arg0: memref<2x10240x128xf32, #tpu.memory_space<vmem>>, %arg1: memref<10240x128xf32, #tpu.memory_space<vmem>>, %arg2: memref<10000x1xf32, #tpu.memory_space<vmem>>, %arg3: memref<1x128xf32, #tpu.memory_space<vmem>>, %arg4: memref<1x10000xi32, #tpu.memory_space<vmem>>, %arg5: memref<128x10xf32, #tpu.memory_space<vmem>>, %arg6: memref<1x10xf32, #tpu.memory_space<vmem>>, %arg7: memref<64x10xf32, #tpu.memory_space<vmem>>) attributes {dimension_semantics = [], scalar_prefetch = 0 : i64, scratch_operands = 0 : i64, tpu.core_type = #tpu.core_type<tc>} {
    %get3A = arith.constant 0 : index
    %get3A_0 = arith.constant 0 : index
    %get3A_1 = vector.load %arg2[%get3A, %get3A_0] : memref<10000x1xf32, #tpu.memory_space<vmem>>, vector<10000x1xf32>
    %get3A_2 = arith.constant 0 : index
    %get3A_3 = arith.constant 0 : index
    %get3A_4 = arith.constant 0 : index
    %get3A_5 = vector.load %arg0[%get3A_2, %get3A_3, %get3A_4] : memref<2x10240x128xf32, #tpu.memory_space<vmem>>, vector<1x10000x128xf32>
    %get3A_6 = vector.shape_cast %get3A_5 : vector<1x10000x128xf32> to vector<10000x128xf32>
    %get3A_7 = arith.constant 1 : index
    %get3A_8 = arith.constant 0 : index
    %get3A_9 = arith.constant 0 : index
    %get3A_10 = vector.load %arg0[%get3A_7, %get3A_8, %get3A_9] : memref<2x10240x128xf32, #tpu.memory_space<vmem>>, vector<1x10000x128xf32>
    %get3A_11 = vector.shape_cast %get3A_10 : vector<1x10000x128xf32> to vector<10000x128xf32>
    %add3A = arith.addf %get3A_6, %get3A_11 : vector<10000x128xf32>
    %get3A_12 = arith.constant 0 : index
    %get3A_13 = arith.constant 0 : index
    %get3A_14 = vector.load %arg1[%get3A_12, %get3A_13] : memref<10240x128xf32, #tpu.memory_space<vmem>>, vector<10000x128xf32>
    %add3A_15 = arith.addf %add3A, %get3A_14 : vector<10000x128xf32>
    %mul3A = vector.broadcast %get3A_1 : vector<10000x1xf32> to vector<10000x128xf32>
    %mul3A_16 = arith.mulf %mul3A, %add3A_15 : vector<10000x128xf32>
    %get3A_17 = arith.constant 0 : index
    %get3A_18 = arith.constant 0 : index
    %get3A_19 = vector.load %arg3[%get3A_17, %get3A_18] : memref<1x128xf32, #tpu.memory_space<vmem>>, vector<1x128xf32>
    %add3A_20 = vector.broadcast %get3A_19 : vector<1x128xf32> to vector<10000x128xf32>
    %add3A_21 = arith.addf %mul3A_16, %add3A_20 : vector<10000x128xf32>
    %max3A = arith.constant 0.000000e+00 : f32
    %max3A_22 = vector.broadcast %max3A : f32 to vector<10000x128xf32>
    %max3A_23 = arith.maximumf %add3A_21, %max3A_22 : vector<10000x128xf32>
    %iota3A = tpu.iota {dimensions = array<i32: 0>} : vector<64x10000xi32>
    %get3A_24 = arith.constant 0 : index
    %get3A_25 = arith.constant 0 : index
    %get3A_26 = vector.load %arg4[%get3A_24, %get3A_25] : memref<1x10000xi32, #tpu.memory_space<vmem>>, vector<1x10000xi32>
    %eq3A = vector.broadcast %get3A_26 : vector<1x10000xi32> to vector<64x10000xi32>
    %eq3A_27 = arith.cmpi eq, %iota3A, %eq3A : vector<64x10000xi32>
    %convert_element_type3A = arith.extui %eq3A_27 : vector<64x10000xi1> to vector<64x10000xi32>
    %convert_element_type3A_28 = arith.sitofp %convert_element_type3A : vector<64x10000xi32> to vector<64x10000xf32>
    %dot_general3A = arith.constant dense<0.000000e+00> : vector<64x128xf32>
    %dot_general3A_29 = tpu.matmul %convert_element_type3A_28, %max3A_23, %dot_general3A {dimension_numbers = #tpu.dot_dimension_numbers<[1], [0], [0], [1], [0, 0, 1, 1], [], []>, transpose_lhs_hint = false} : vector<64x10000xf32>, vector<10000x128xf32>, vector<64x128xf32> -> vector<64x128xf32>
    %broadcast_in_dim3A = arith.constant 1.000000e+00 : f32
    %broadcast_in_dim3A_30 = vector.broadcast %broadcast_in_dim3A : f32 to vector<10000x1xf32>
    %dot_general3A_31 = arith.constant dense<0.000000e+00> : vector<64x1xf32>
    %dot_general3A_32 = tpu.matmul %convert_element_type3A_28, %broadcast_in_dim3A_30, %dot_general3A_31 {dimension_numbers = #tpu.dot_dimension_numbers<[1], [0], [0], [1], [0, 0, 1, 1], [], []>, transpose_lhs_hint = false} : vector<64x10000xf32>, vector<10000x1xf32>, vector<64x1xf32> -> vector<64x1xf32>
    %max3A_33 = arith.constant 1.000000e+00 : f32
    %max3A_34 = vector.broadcast %max3A_33 : f32 to vector<64x1xf32>
    %max3A_35 = arith.maximumf %dot_general3A_32, %max3A_34 : vector<64x1xf32>
    %div3A = vector.broadcast %max3A_35 : vector<64x1xf32> to vector<64x128xf32>
    %div3A_36 = arith.divf %dot_general3A_29, %div3A : vector<64x128xf32>
    %get3A_37 = arith.constant 0 : index
    %get3A_38 = arith.constant 0 : index
    %get3A_39 = vector.load %arg5[%get3A_37, %get3A_38] : memref<128x10xf32, #tpu.memory_space<vmem>>, vector<128x10xf32>
    %dot_general3A_40 = arith.constant dense<0.000000e+00> : vector<64x10xf32>
    %dot_general3A_41 = tpu.matmul %div3A_36, %get3A_39, %dot_general3A_40 {dimension_numbers = #tpu.dot_dimension_numbers<[1], [0], [0], [1], [0, 0, 1, 1], [], []>, transpose_lhs_hint = false} : vector<64x128xf32>, vector<128x10xf32>, vector<64x10xf32> -> vector<64x10xf32>
    %get3A_42 = arith.constant 0 : index
    %get3A_43 = arith.constant 0 : index
    %get3A_44 = vector.load %arg6[%get3A_42, %get3A_43] : memref<1x10xf32, #tpu.memory_space<vmem>>, vector<1x10xf32>
    %add3A_45 = vector.broadcast %get3A_44 : vector<1x10xf32> to vector<64x10xf32>
    %add3A_46 = arith.addf %dot_general3A_41, %add3A_45 : vector<64x10xf32>
    %swap3A = arith.constant 0 : index
    %swap3A_47 = arith.constant 0 : index
    %swap3A_48 = vector.load %arg7[%swap3A, %swap3A_47] : memref<64x10xf32, #tpu.memory_space<vmem>>, vector<64x10xf32>
    tpu.vector_store %arg7[%swap3A, %swap3A_47], %add3A_46 {strides = array<i32>} : memref<64x10xf32, #tpu.memory_space<vmem>>, vector<64x10xf32>,
    return
  }
}

</mosaic_0001>

<sc_bundles>
// kernel: kernel.11.cloned.1.call-start
scs
__scs_entry_jumppad:
0x0: {  	(pc) =	sbr.rel $0x88, $3  }
0x1: {  	(tag) =	ssettag $0x0;
	lr =	simm.s32 $0x1  }
0x2: {  	[smem:$0x3F98] =	sst lr;
	_ =	strace $0xD0000000  }
0x3: {  	_ = 	snop  }
0x4: {  	_ = 	snop  }
0x5: {  	_ = 	snop  }
0x6: {  	_ = 	snop  }
0x7: {  	_ = 	snop  }
__scs_overlays_trampoline_lowered:
0x8: {  	[smem:$0x3FA7] =	sst s0  }
0x9: {  	[smem:$0x3FA8] =	sst s1  }
0xa: {  	[smem:$0x3FA9] =	sst s2  }
0xb: {  	[smem:$0x3FAA] =	sst s3  }
0xc: {  	[smem:$0x3FAB] =	sst s4  }
0xd: {  	[smem:$0x3FAC] =	sst s5  }
0xe: {  	[smem:$0x3FAD] =	sst s6  }
0xf: {  	[smem:$0x3FAE] =	sst s7  }
0x10: {  	[smem:$0x3FAF] =	sst s8  }
0x11: {  	[smem:$0x3FB0] =	sst s9;
	s0 =	simm.s32 @!p0 $0x0  }
0x12: {  	s1 =	sld [smem:$0x3F96];
	s0 =	simm.s32 @p0 $0x1  }
0x13: {  	[smem:$0x3FB1] =	sst s0;
	s0 =	simm.s32 @!p1 $0x0  }
0x14: {  	s2 =	sld [smem:$0x3F95];
	s0 =	simm.s32 @p1 $0x1  }
0x15: {  	[smem:$0x3FB2] =	sst s0;
	s0 =	simm.s32 @!p2 $0x0  }
0x16: {  	s3 =	sld [smem:$0x3FDB];
	s0 =	simm.s32 @p2 $0x1  }
0x17: {  	s4 =	simm.s32 $0x1BF5;
	[smem:$0x3FB4] =	sst s0  }
0x18: {  	s0 =	sld [smem:$0x3F97];
	_ =	swait.ge [sflag:s4], $0x0  }
0x19: {  	s7 =	sld [smem:$0x3F98]  }
0x1a: {  	s8 =	sadd.s32 $0xFFFFE003, lr  }
0x1b: {  	s9 =	sadd.s32 $0xFFFFFEF7, lr;
	s5 =	simm.s32 $0xFFFFFFFF;
	p2 =	slt.u32 s8, $0xFFFFF086  }
0x1c: {  	p1 =	slt.u32 s9, $0xF7A;
	s5 =	simm.s32 @!p2 $0x0  }
0x1d: {  	s5 =	simm.s32 @p1 $0x1;
	p0 =	seq.s32 s7, s2  }
0x1e: {  	s7 =	smul.u32 @!p0 $0xF7A, s2;
	p2 =	seq.s32 @!p0 s5, $0x0  }
0x1f: {  	s9 =	smul.u32 $0xF7A, s1;
	s8 =	simm.s32 @!p0 $0x1BF5;
	p2 =	por !p2, p0  }
0x20: {  	[sflag:s8] =	ssyncset.s32 @!p0 $0xFFFFF086;
	s6 =	sadd.s32 @!p0 s3, s7;
	s7 =	simm.s32 @!p0 $0x108  }
0x21: {  	s3 =	sadd.s32 s3, s9;
	s6 =	sadd.s32 @!p0 $0x88, s6;
	s7 =	simm.s32 @p2 $0x1082  }
0x22: {  	[simem:s7], [sflag:s8] =	dma.local @!p0 [hbm:s6], $0xF7A  }
0x23: {  	s9 =	sor.u32 $0xD0000000, s2;
	s6 =	simm.s32 $0x108;
	_ =	swait.ge @!p0 [sflag:s8], $0x0  }
0x24: {  	s3 =	sadd.s32 $0x88, s3;
	s6 =	simm.s32 @!p1 $0x1082;
	[sflag:s4] =	ssyncset.s32 $0xFFFFF086  }
0x25: {  	[simem:s6], [sflag:s4] =	dma.local [hbm:s3], $0xF7A  }
0x26: {  	[smem:$0x3F98] =	sst s1;
	(tag) =	ssettag s2;
	_ =	strace s9  }
0x27: {  	s1 =	sld [smem:$0x3FA8]  }
0x28: {  	s2 =	sld [smem:$0x3FA9]  }
0x29: {  	s4 =	sld [smem:$0x3FAB]  }
0x2a: {  	p0 =	seq.s32 s5, $0x0;
	s5 =	sld [smem:$0x3FAC]  }
0x2b: {  	s6 =	sld [smem:$0x3FAD]  }
0x2c: {  	s7 =	sld [smem:$0x3FAE]  }
0x2d: {  	s3 =	simm.s32 $0x108;
	s8 =	sld [smem:$0x3FAF]  }
0x2e: {  	s3 =	simm.s32 @!p0 $0x1082;
	s9 =	sld [smem:$0x3FB0]  }
0x2f: {  	lr =	sadd.s32 s0, s3;
	s0 =	sld [smem:$0x3FA7]  }
0x30: {  	s3 =	sld [smem:$0x3FAA]  }
0x31: {  	[smem:$0x3FB3] =	sst s10  }
0x32: {  	s10 =	sld [smem:$0x3FB1];
	_ =	sdelay $0x3  }
0x33: {  	p0 =	seq.s32 s10, $0x1;
	s10 =	sld [smem:$0x3FB3];
	_ =	sdelay $0x3  }
0x34: {  	[smem:$0x3FB3] =	sst s10  }
0x35: {  	s10 =	sld [smem:$0x3FB2];
	_ =	sdelay $0x3  }
0x36: {  	p1 =	seq.s32 s10, $0x1;
	s10 =	sld [smem:$0x3FB3];
	_ =	sdelay $0x3  }
0x37: {  	[smem:$0x3FB3] =	sst s10  }
0x38: {  	s10 =	sld [smem:$0x3FB4]  }
0x39: {  	_ = 	snop;
	(pc) =	sbr.ind lr, $3  }
0x3a: {  	_ = 	snop  }
0x3b: {  	_ = 	snop  }
0x3c: {  	p2 =	seq.s32 s10, $0x1;
	s10 =	sld [smem:$0x3FB3]  }
0x3d: {  	_ =	shalt  }
0x3e: {  	_ =	shalt  }
0x3f: {  	_ =	shalt  }
0x40: {  	_ =	shalt  }
0x41: {  	_ =	shalt  }
0x42: {  	_ =	shalt  }
0x43: {  	_ =	shalt  }
0x44: {  	_ =	shalt  }
0x45: {  	_ =	shalt  }
0x46: {  	_ =	shalt  }
0x47: {  	_ =	shalt  }
0x48: {  	_ =	shalt  }
0x49: {  	_ =	shalt  }
0x4a: {  	_ =	shalt  }
0x4b: {  	_ =	shalt  }
0x4c: {  	_ =	shalt  }
0x4d: {  	_ =	shalt  }
0x4e: {  	_ =	shalt  }
0x4f: {  	_ =	shalt  }
0x50: {  	_ =	shalt  }
0x51: {  	_ =	shalt  }
0x52: {  	_ =	shalt  }
0x53: {  	_ =	shalt  }
0x54: {  	_ =	shalt  }
0x55: {  	_ =	shalt  }
0x56: {  	_ =	shalt  }
0x57: {  	_ =	shalt  }
0x58: {  	_ =	shalt  }
0x59: {  	_ =	shalt  }
0x5a: {  	_ =	shalt  }
0x5b: {  	_ =	shalt  }
0x5c: {  	_ =	shalt  }
0x5d: {  	_ =	shalt  }
0x5e: {  	_ =	shalt  }
0x5f: {  	_ =	shalt  }
0x60: {  	_ =	shalt  }
0x61: {  	_ =	shalt  }
0x62: {  	_ =	shalt  }
0x63: {  	_ =	shalt  }
0x64: {  	_ =	shalt  }
0x65: {  	_ =	shalt  }
0x66: {  	_ =	shalt  }
0x67: {  	_ =	shalt  }
0x68: {  	_ =	shalt  }
0x69: {  	_ =	shalt  }
0x6a: {  	_ =	shalt  }
0x6b: {  	_ =	shalt  }
0x6c: {  	_ =	shalt  }
0x6d: {  	_ =	shalt  }
0x6e: {  	_ =	shalt  }
0x6f: {  	_ =	shalt  }
0x70: {  	_ =	shalt  }
0x71: {  	_ =	shalt  }
0x72: {  	_ =	shalt  }
0x73: {  	_ =	shalt  }
0x74: {  	_ =	shalt  }
0x75: {  	_ =	shalt  }
0x76: {  	_ =	shalt  }
0x77: {  	_ =	shalt  }
0x78: {  	_ =	shalt  }
0x79: {  	_ =	shalt  }
0x7a: {  	_ =	shalt  }
0x7b: {  	_ =	shalt  }
0x7c: {  	_ =	shalt  }
0x7d: {  	_ =	shalt  }
0x7e: {  	_ =	shalt  }
0x7f: {  	_ =	shalt  }
0x80: {  	_ =	shalt  }
0x81: {  	_ =	shalt  }
0x82: {  	_ =	shalt  }
0x83: {  	_ =	shalt  }
0x84: {  	_ =	shalt  }
0x85: {  	_ =	shalt  }
0x86: {  	_ =	shalt  }
0x87: {  	_ =	shalt  }
.Lfunc_end0:
.L_simem_size_0:
called_computation.1_lowered:
.L_overlay_start_0:
0x88: {  	s2 =	sld [smem:$0x3FD9]  }
0x89: {  	s3 =	sld [smem:$0x3FFE];
	_ =	sdelay $0x1  }
0x8a: {  	s1 =	srdreg.scid  }
0x8b: {  	s0 =	sand.u32 $0x1, s1  }
0x8c: {  	s16 =	sshll.u32 s0, $0xA;
	s2 =	sadd.s32 s3, s2  }
0x8d: {  	s2 =	sadd.s32 s2, s16  }
0x8e: {  	[smem:$0x3FBF] =	sst s2  }
0x8f: {  	_ = 	snop  }
0x90: {  	(tm) =	ssettm $0x1  }
0x91: {  	s17 =	sld [smem:$0x3FFB];
	_ =	sdelay $0x3  }
0x92: {  	_ =	strace s17  }
0x93: {  	s2 =	sld [smem:$0x3FFC];
	_ =	sdelay $0x3  }
0x94: {  	_ =	strace s2  }
0x95: {  	s2 =	sld [smem:$0x3FFD];
	_ =	sdelay $0x3  }
0x96: {  	_ =	strace s2  }
0x97: {  	_ =	strace $0x8FFFFFFF  }
0x98: {  	s18 =	sld [smem:$0x3FDB];
	_ =	sdelay $0x1  }
0x99: {  	s19 =	simm.s32 $_scs_section_size  }
0x9a: {  	s4 =	simm.s32 $_size__tile_overlayer_lowered;
	s5 =	simm.s32 $_tile_overlayer_lowered  }
0x9b: {  	s22 =	simm.s32 $0x1BFF;
	s21 =	sshll.u32 s5, $0x1;
	s2 =	sadd.s32 s19, s18  }
0x9c: {  	s6 =	simm.s32 $0x0;
	s20 =	sshll.u32 s4, $0x1;
	s4 =	sadd.s32 s21, s2  }
0x9d: {  	[timem:s6], [sflag:s22] =	dma.local [hbm:s4], s20  }
0x9e: {  	_ =	swait.ge [sflag:s22], s20  }
0x9f: {  	s3 =	ssub.s32 $0x0, s20;
	[sflag:s22] =	ssyncset.done $0x0  }
0xa0: {  	[sflag:s22] =	ssyncadd.s32 s3;
	_ =	sdelay $0x1  }
0xa1: {  	s23 =	simm.s32 $0x1B8B  }
0xa2: {  	_ =	swait.ge [sflag:s23], $0x1  }
0xa3: {  	[sflag:s23] =	ssyncset.done $0x0  }
0xa4: {  	s25 =	simm.s32 $0x1B8E;
	s24 =	sld [smem:$0x3FFE];
	[sflag:s23] =	ssyncadd.s32 $0xFFFFFFFF  }
0xa5: {  	s26 =	simm.s32 $execute0_lowered;
	[smem:$0x3FD2] =	sst s25  }
0xa6: {  	s4 =	sshll.u32 s26, $0x1;
	_ =	strace $0x80000049;
	[dreg:$0x1] =	wrdreg $0xFFFFFFFF  }
0xa7: {  	s28 =	simm.s32 $_size_execute0_lowered;
	s2 =	sadd.s32 s2, s4;
	[dreg:$0x0] =	wrdreg $0x0  }
0xa8: {  	s4 =	sshll.u32 s28, $0x1;
	[dreg:$0x2] =	wrdreg s2  }
0xa9: {  	[dreg:$0x3] =	wrdreg s4  }
0xaa: {  	[dreg:$0x4] =	wrdreg $0xC0  }
0xab: {  	_ =	task [dreg:s6], $0x5FFFF  }
0xac: {  	[dreg:$0x1] =	wrdreg $0xFFFFFFFF  }
0xad: {  	[dreg:$0x0] =	wrdreg $0x60  }
0xae: {  	[dreg:$0x2] =	wrdreg s24  }
0xaf: {  	[dreg:$0x3] =	wrdreg $0x82000  }
0xb0: {  	[dreg:$0x4] =	wrdreg $0x9  }
0xb1: {  	_ =	task.clear_ibuf [dreg:s6], $0x5FFFF;
	_ =	strace $0x90000049  }
0xb2: {  	s29 =	simm.s32 $0x9;
	_ =	strace $0x8000004B  }
0xb3: {  	_ =	swait.ge [sflag:s29], $0x1  }
0xb4: {  	[sflag:s29] =	ssyncadd.s32 $0xFFFFFFFF  }
0xb5: {  	_ =	strace $0x9000004B  }
0xb6: {  	_ =	sfence  }
0xb7: {  	s30 =	sld [smem:$0x0];
	_ =	sdelay $0x2  }
0xb8: {  	s31 =	sshll.u32 s1, $0xD;
	s1 =	sshrl.u32 s1, $0x2  }
0xb9: {  	s3 =	sand.u32 $0x4000, s31;
	s1 =	sadd.s32 s1, s30  }
0xba: {  	s0 =	sor.u32 s3, s0;
	s1 =	sshll.u32 s1, $0x11  }
0xbb: {  	s0 =	sor.u32 s1, s0  }
0xbc: {  	s0 =	sadd.s32 $0x8F2B, s0  }
0xbd: {  	[sflag:s0] =	ssyncadd.remote.s32 $0x1  }
0xbe: {  	_ =	sfence.sel $0xFFFF  }
0xbf: {  	[dreg:$0x0] =	wrdreg $0xFFFFFFFF;
	(pc) =	sbr.abs _section_cstart, $3  }
0xc0: {  	[dreg:$0x1] =	wrdreg $0xFFFFFFFF  }
0xc1: {  	_ =	task.clear_ibuf [dreg:s6], $0x2FFFF;
	_ =	strace $0x9FFFFFFF  }
0xc2: {  	(tm) =	ssettm $0x7FFFFFFF  }
0xc3: {  	_ =	shalt  }
tec
execute0_lowered:
.L_overlay_start_1:
0x0: {  	(tag) =	ssettag $0x1  }
0x1: {  	s5 =	rddreg [dreg:$0x0]  }
0x2: {  	s1 =	rddreg [dreg:$0x1];
	s2 =	srdreg.scid  }
0x3: {  	s3 =	simm.s32 $0x0;
	s0 =	stileid.u32;
	s18 =	simm.s32 $0x100  }
0x4: {  	s19 =	simm.s32 $0x80;
	s20 =	simm.s32 $0x180;
	s21 =	simm.s32 $0x3  }
0x5: {  	s22 =	simm.s32 $0x4;
	s23 =	simm.s32 $0x4200;
	s7 =	smul.u32 $0x14000, s0  }
0x6: {  	s24 =	simm.s32 $0x5;
	s25 =	simm.s32 $0x6;
	s29 =	smul.u32 $0x50000, s0  }
0x7: {  	s26 =	simm.s32 $0x2;
	s28 =	simm.s32 $0x0;
	s12 =	smul.u32 $0x50, s0  }
0x8: {  	s11 =	sand.u32 $0x1, s2;
	[smem:$0x7FF] =	sst s3;
	s17 =	smul.u32 $0x500, s0  }
0x9: {  	s4 =	sadd.s32 $0x17A00, s5;
	s13 =	sadd.s32 $0xD800, s5;
	s6 =	smul.u32 $0x140000, s11  }
0xa: {  	s14 =	sadd.s32 $0x2C00, s5;
	s8 =	ssub.s32 $0x2, s11;
	s9 =	smul.u32 $0x500, s11  }
0xb: {  	_ =	strace $0x8000004A;
	s16 =	smul.u32 $0x5000, s11;
	s10 =	sshrl.u32 s8, $0x1  }
0xc: {  	s6 =	sadd.s32 s7, s6;
	s7 =	sshrl.u32 s29, $0x2;
	s30 =	sadd.s32 s12, s9  }
0xd: {  	s8 =	ssub.s32 s8, s10;
	s6 =	sshrl.u32 s6, $0x3;
	s15 =	sshll.u32 s30, $0x4  }
0xe: {  	s6 =	sadd.s32 s6, s5;
	s5 =	sadd.s32 s7, s1;
	s7 =	smax.u32 s8, $0x1  }
0xf: {  	s31 =	sadd.s32 s15, s13;
	s15 =	sadd.s32 s15, s14;
	s14 =	sadd.s32 s16, s14  }
0x10: {  	s16 =	sadd.s32 s16, s13;
	s6 =	sadd.s32 $0x3FA00, s6;
	s8 =	sadd.s32 $0x4000, s5  }
0x11: {  	s9 =	sadd.s32 $0x8000, s5;
	s10 =	sadd.s32 $0xC000, s5;
	s11 =	sadd.s32 $0x10000, s5  }
0x12: {  	s12 =	sadd.s32 $0x10, s31;
	s13 =	sadd.s32 $0x10, s15;
	s14 =	sadd.s32 s17, s14  }
0x13: {  	v0 =	vimm.f32 $0.0e+00;
	s15 =	sadd.s32 s17, s16;
	s16 =	simm.s32 $0x200;
	s17 =	simm.s32 $0x1  }
.LBB2_1:
0x14: {  	s29 =	simm.s32 $0x0;
	s30 =	simm.s32 $0x200  }
.LBB2_2:
0x15: {  	p0 =	sne.s32 s30, $0xFE00;
	[tilespmem:s29+$0x270] =	vst v0  }
0x16: {  	[tilespmem:s29+$0x200] =	vst v0  }
0x17: {  	[tilespmem:s29+$0x210] =	vst v0  }
.Ltmp0:
0x18: {  	[tilespmem:s29+$0x220] =	vst v0;
	(pc) =	sbr.rel @p0 .LBB2_2-.Ltmp0, $4  }
0x19: {  	[tilespmem:s29+$0x230] =	vst v0  }
0x1a: {  	[tilespmem:s29+$0x240] =	vst v0  }
0x1b: {  	[tilespmem:s29+$0x250] =	vst v0  }
0x1c: {  	[tilespmem:s29+$0x260] =	vst v0;
	s29 =	sshra.s32 s30, $0x2;
	s30 =	sadd.s32 $0x200, s30  }
0x1d: {  	[tilespmem:s29+$0x270] =	vst v0  }
0x1e: {  	[tilespmem:s29+$0x200] =	vst v0  }
0x1f: {  	[tilespmem:s29+$0x210] =	vst v0  }
0x20: {  	[tilespmem:s29+$0x220] =	vst v0  }
0x21: {  	[tilespmem:s29+$0x230] =	vst v0  }
0x22: {  	[tilespmem:s29+$0x240] =	vst v0  }
0x23: {  	[tilespmem:s29+$0x250] =	vst v0  }
0x24: {  	[tilespmem:s29+$0x260] =	vst v0  }
0x25: {  	[spmem:s5] =	stream.linear.scatter [tilespmem:s16], [sflag:$0x1], $0x4000, $0x38;
	[tilespmem:$0x1C200] =	vst v63  }
0x26: {  	_ =	swait.ge [sflag:s17], $0x4000  }
0x27: {  	[sflag:s17] =	ssyncset.done $0x0  }
0x28: {  	[sflag:s17] =	ssyncadd.s32 $0xFFFFC000  }
0x29: {  	[spmem:s8] =	stream.linear.scatter [tilespmem:s16], [sflag:$0x1], $0x4000, $0x38;
	[tilespmem:$0x1C200] =	vst v63  }
0x2a: {  	_ =	swait.ge [sflag:s17], $0x4000  }
0x2b: {  	[sflag:s17] =	ssyncset.done $0x0  }
0x2c: {  	[sflag:s17] =	ssyncadd.s32 $0xFFFFC000  }
0x2d: {  	[spmem:s9] =	stream.linear.scatter [tilespmem:s16], [sflag:$0x1], $0x4000, $0x38;
	[tilespmem:$0x1C200] =	vst v63  }
0x2e: {  	_ =	swait.ge [sflag:s17], $0x4000  }
0x2f: {  	[sflag:s17] =	ssyncset.done $0x0  }
0x30: {  	[sflag:s17] =	ssyncadd.s32 $0xFFFFC000  }
0x31: {  	[spmem:s10] =	stream.linear.scatter [tilespmem:s16], [sflag:$0x1], $0x4000, $0x38;
	[tilespmem:$0x1C200] =	vst v63  }
0x32: {  	_ =	swait.ge [sflag:s17], $0x4000  }
0x33: {  	[sflag:s17] =	ssyncset.done $0x0  }
0x34: {  	[sflag:s17] =	ssyncadd.s32 $0xFFFFC000  }
0x35: {  	[spmem:s11] =	stream.linear.scatter [tilespmem:s16], [sflag:$0x1], $0x4000, $0x38;
	[tilespmem:$0x1C200] =	vst v63  }
0x36: {  	_ =	swait.ge [sflag:s17], $0x4000  }
0x37: {  	[sflag:s17] =	ssyncset.done $0x0  }
0x38: {  	[sflag:s17] =	ssyncadd.s32 $0xFFFFC000  }
0x39: {  	s29 =	sadd.s32 $0x0, s15;
	[bflag:$0x0] =	sbarrier.arrive $0xFFFF  }
0x3a: {  	[tilespmem:s3], [sflag:$0x3] =	stream.linear.gather [hbm4b:s29+s3], $0x80, $0x38;
	[tilespmem:$0x1C200] =	vst v63  }
0x3b: {  	s29 =	sadd.s32 $0x0, s14  }
0x3c: {  	[tilespmem:s18], [sflag:$0x5] =	stream.linear.gather [hbm4b:s29+s3], $0x80, $0x38;
	[tilespmem:$0x1C200] =	vst v63  }
0x3d: {  	s29 =	sadd.s32 $0x0, s12  }
0x3e: {  	[tilespmem:s19], [sflag:$0x4] =	stream.linear.gather [hbm4b:s29+s3], $0x80, $0x38;
	[tilespmem:$0x1C200] =	vst v63  }
0x3f: {  	s29 =	sadd.s32 $0x0, s13  }
0x40: {  	[tilespmem:s20], [sflag:$0x6] =	stream.linear.gather [hbm4b:s29+s3], $0x80, $0x38;
	[tilespmem:$0x1C200] =	vst v63  }
0x41: {  	_ =	swait.ge [sflag:s21], $0x80  }
0x42: {  	[sflag:s21] =	ssyncset.done $0x0  }
0x43: {  	[sflag:s21] =	ssyncadd.s32 $0xFFFFFF80  }
0x44: {  	[tilespmem:s16], [sflag:$0x1] =	stream.indirect.gather [hbm4b:s4+s19], $0x80, s3, s19, $0xb8;
	[tilespmem:$0x1C200] =	vst v63  }
0x45: {  	_ =	swait.ge [sflag:s22], $0x80  }
0x46: {  	[sflag:s22] =	ssyncset.done $0x0  }
0x47: {  	[sflag:s22] =	ssyncadd.s32 $0xFFFFFF80  }
0x48: {  	[tilespmem:s23], [sflag:$0x2] =	stream.indirect.gather [hbm4b:s4+s19], $0x80, s19, s19, $0xb8;
	[tilespmem:$0x1C200] =	vst v63  }
0x49: {  	_ =	swait.ge [sflag:s24], $0x80  }
0x4a: {  	[sflag:s24] =	ssyncset.done $0x0  }
0x4b: {  	[sflag:s24] =	ssyncadd.s32 $0xFFFFFF80  }
0x4c: {  	_ =	swait.ge [sflag:s25], $0x80  }
0x4d: {  	[sflag:s25] =	ssyncset.done $0x0  }
0x4e: {  	[sflag:s25] =	ssyncadd.s32 $0xFFFFFF80  }
0x4f: {  	_ =	swait.ge [sflag:s17], $0x4000  }
0x50: {  	[sflag:s17] =	ssyncset.done $0x0  }
0x51: {  	[sflag:s17] =	ssyncadd.s32 $0xFFFFC000  }
0x52: {  	_ =	swait.ge [sflag:s26], $0x4000  }
0x53: {  	[sflag:s26] =	ssyncset.done $0x0  }
0x54: {  	[sflag:s26] =	ssyncadd.s32 $0xFFFFC000  }
0x55: {  	[spmem:s1] =	stream.indirect.scatter.add.f32 [tilespmem:s16], [sflag:$0x1], $0x80, s18, s19, $0xb8;
	[tilespmem:$0x1C200] =	vst v63  }
0x56: {  	_ = 	snop  }
0x57: {  	[spmem:s1] =	stream.indirect.scatter.add.f32 [tilespmem:s23], [sflag:$0x2], $0x80, s20, s19, $0xb8;
	[tilespmem:$0x1C200] =	vst v63  }
0x58: {  	_ =	swait.ge [sflag:s17], $0x4000  }
0x59: {  	[sflag:s17] =	ssyncset.done $0x0  }
0x5a: {  	[sflag:s17] =	ssyncadd.s32 $0xFFFFC000  }
0x5b: {  	_ =	swait.ge [sflag:s26], $0x4000  }
0x5c: {  	s31 =	simm.s32 $0x40;
	s29 =	simm.s32 $0x20;
	[sflag:s26] =	ssyncset.done $0x0  }
.LBB2_4:
0x5d: {  	s0 =	sadd.s32 s29, s15  }
0x5e: {  	[sflag:s26] =	ssyncadd.s32 $0xFFFFC000;
	s2 =	smov.u32 s31;
	s30 =	sadd.s32 $0x20, s31  }
0x5f: {  	[tilespmem:s3], [sflag:$0x3] =	stream.linear.gather [hbm4b:s0+s3], $0x80, $0x38;
	[tilespmem:$0x1C200] =	vst v63  }
0x60: {  	p0 =	sne.s32 s31, $0x4E0;
	s0 =	sadd.s32 s29, s14  }
0x61: {  	[tilespmem:s18], [sflag:$0x5] =	stream.linear.gather [hbm4b:s0+s3], $0x80, $0x38;
	[tilespmem:$0x1C200] =	vst v63  }
0x62: {  	s0 =	sadd.s32 s29, s12  }
0x63: {  	[tilespmem:s19], [sflag:$0x4] =	stream.linear.gather [hbm4b:s0+s3], $0x80, $0x38;
	[tilespmem:$0x1C200] =	vst v63  }
0x64: {  	s0 =	sadd.s32 s29, s13;
	s29 =	smov.u32 s2  }
0x65: {  	[tilespmem:s20], [sflag:$0x6] =	stream.linear.gather [hbm4b:s0+s3], $0x80, $0x38;
	[tilespmem:$0x1C200] =	vst v63  }
0x66: {  	_ =	swait.ge [sflag:s21], $0x80  }
0x67: {  	[sflag:s21] =	ssyncset.done $0x0  }
0x68: {  	[sflag:s21] =	ssyncadd.s32 $0xFFFFFF80  }
0x69: {  	[tilespmem:s16], [sflag:$0x1] =	stream.indirect.gather [hbm4b:s4+s19], $0x80, s3, s19, $0xb8;
	[tilespmem:$0x1C200] =	vst v63  }
0x6a: {  	_ =	swait.ge [sflag:s22], $0x80  }
0x6b: {  	[sflag:s22] =	ssyncset.done $0x0  }
0x6c: {  	[sflag:s22] =	ssyncadd.s32 $0xFFFFFF80  }
0x6d: {  	[tilespmem:s23], [sflag:$0x2] =	stream.indirect.gather [hbm4b:s4+s19], $0x80, s19, s19, $0xb8;
	[tilespmem:$0x1C200] =	vst v63  }
0x6e: {  	_ =	swait.ge [sflag:s24], $0x80  }
0x6f: {  	[sflag:s24] =	ssyncset.done $0x0  }
0x70: {  	[sflag:s24] =	ssyncadd.s32 $0xFFFFFF80  }
0x71: {  	_ =	swait.ge [sflag:s25], $0x80  }
0x72: {  	[sflag:s25] =	ssyncset.done $0x0  }
0x73: {  	[sflag:s25] =	ssyncadd.s32 $0xFFFFFF80  }
0x74: {  	_ =	swait.ge [sflag:s17], $0x4000  }
0x75: {  	[sflag:s17] =	ssyncset.done $0x0  }
0x76: {  	[sflag:s17] =	ssyncadd.s32 $0xFFFFC000  }
0x77: {  	_ =	swait.ge [sflag:s26], $0x4000  }
0x78: {  	[sflag:s26] =	ssyncset.done $0x0  }
0x79: {  	[sflag:s26] =	ssyncadd.s32 $0xFFFFC000  }
0x7a: {  	[spmem:s1] =	stream.indirect.scatter.add.f32 [tilespmem:s16], [sflag:$0x1], $0x80, s18, s19, $0xb8;
	[tilespmem:$0x1C200] =	vst v63  }
0x7b: {  	_ = 	snop  }
0x7c: {  	[spmem:s1] =	stream.indirect.scatter.add.f32 [tilespmem:s23], [sflag:$0x2], $0x80, s20, s19, $0xb8;
	[tilespmem:$0x1C200] =	vst v63  }
.Ltmp1:
0x7d: {  	_ =	swait.ge [sflag:s17], $0x4000;
	(pc) =	sbr.rel @p0 .LBB2_4-.Ltmp1, $4  }
0x7e: {  	[sflag:s17] =	ssyncset.done $0x0  }
0x7f: {  	[sflag:s17] =	ssyncadd.s32 $0xFFFFC000  }
0x80: {  	_ =	swait.ge [sflag:s26], $0x4000  }
0x81: {  	s31 =	smov.u32 s30;
	[sflag:s26] =	ssyncset.done $0x0  }
0x82: {  	s0 =	sadd.s32 s29, s15;
	[sflag:s26] =	ssyncadd.s32 $0xFFFFC000  }
0x83: {  	[tilespmem:s3], [sflag:$0x3] =	stream.linear.gather [hbm4b:s0+s3], $0x80, $0x38;
	[tilespmem:$0x1C200] =	vst v63  }
0x84: {  	s31 =	sadd.s32 s29, s14  }
0x85: {  	[tilespmem:s18], [sflag:$0x5] =	stream.linear.gather [hbm4b:s31+s3], $0x80, $0x38;
	[tilespmem:$0x1C200] =	vst v63  }
0x86: {  	s2 =	sadd.s32 s29, s12  }
0x87: {  	[tilespmem:s19], [sflag:$0x4] =	stream.linear.gather [hbm4b:s2+s3], $0x80, $0x38;
	[tilespmem:$0x1C200] =	vst v63  }
0x88: {  	s30 =	sadd.s32 s29, s13  }
0x89: {  	[tilespmem:s20], [sflag:$0x6] =	stream.linear.gather [hbm4b:s30+s3], $0x80, $0x38;
	[tilespmem:$0x1C200] =	vst v63  }
0x8a: {  	_ =	swait.ge [sflag:s21], $0x80  }
0x8b: {  	[sflag:s21] =	ssyncset.done $0x0  }
0x8c: {  	[sflag:s21] =	ssyncadd.s32 $0xFFFFFF80  }
0x8d: {  	[tilespmem:s16], [sflag:$0x1] =	stream.indirect.gather [hbm4b:s4+s19], $0x80, s3, s19, $0xb8;
	[tilespmem:$0x1C200] =	vst v63  }
0x8e: {  	_ =	swait.ge [sflag:s22], $0x80  }
0x8f: {  	[sflag:s22] =	ssyncset.done $0x0  }
0x90: {  	[sflag:s22] =	ssyncadd.s32 $0xFFFFFF80  }
0x91: {  	[tilespmem:s23], [sflag:$0x2] =	stream.indirect.gather [hbm4b:s4+s19], $0x80, s19, s19, $0xb8;
	[tilespmem:$0x1C200] =	vst v63  }
0x92: {  	_ =	swait.ge [sflag:s24], $0x80  }
0x93: {  	[sflag:s24] =	ssyncset.done $0x0  }
0x94: {  	[sflag:s24] =	ssyncadd.s32 $0xFFFFFF80  }
0x95: {  	_ =	swait.ge [sflag:s25], $0x80  }
0x96: {  	[sflag:s25] =	ssyncset.done $0x0  }
0x97: {  	[sflag:s25] =	ssyncadd.s32 $0xFFFFFF80  }
0x98: {  	_ =	swait.ge [sflag:s17], $0x4000  }
0x99: {  	[sflag:s17] =	ssyncset.done $0x0  }
0x9a: {  	[sflag:s17] =	ssyncadd.s32 $0xFFFFC000  }
0x9b: {  	_ =	swait.ge [sflag:s26], $0x4000  }
0x9c: {  	[sflag:s26] =	ssyncset.done $0x0  }
0x9d: {  	[sflag:s26] =	ssyncadd.s32 $0xFFFFC000  }
0x9e: {  	[spmem:s1] =	stream.indirect.scatter.add.f32 [tilespmem:s16], [sflag:$0x1], $0x80, s18, s19, $0xb8;
	[tilespmem:$0x1C200] =	vst v63  }
0x9f: {  	_ = 	snop  }
0xa0: {  	[spmem:s1] =	stream.indirect.scatter.add.f32 [tilespmem:s23], [sflag:$0x2], $0x80, s20, s19, $0xb8;
	[tilespmem:$0x1C200] =	vst v63  }
0xa1: {  	_ =	swait.ge [sflag:s17], $0x4000  }
0xa2: {  	[sflag:s17] =	ssyncset.done $0x0  }
0xa3: {  	[sflag:s17] =	ssyncadd.s32 $0xFFFFC000  }
0xa4: {  	s31 =	stileid.u32;
	_ =	swait.ge [sflag:s26], $0x4000  }
0xa5: {  	s28 =	sadd.s32 $0x1, s28;
	s0 =	sshll.u32 s31, $0x6;
	[sflag:s26] =	ssyncset.done $0x0  }
0xa6: {  	p0 =	sne.s32 s28, s7;
	s0 =	sor.u32 $0x1C01, s0;
	[sflag:s26] =	ssyncadd.s32 $0xFFFFC000  }
.Ltmp2:
0xa7: {  	s2 =	sshrl.u32 s5, $0x3;
	[bflag:$0x0] =	sbarrier.arrive $0xFFFF;
	(pc) =	sbr.rel @p0 .LBB2_1-.Ltmp2, $4  }
0xa8: {  	[hbm:s6], [sflag:s0] =	dma.local [spmem:s2], $0x2800  }
0xa9: {  	_ =	swait.ge [sflag:s17], $0x2800  }
0xaa: {  	[sflag:s17] =	ssyncset.done $0x0  }
0xab: {  	[sflag:s17] =	ssyncadd.s32 $0xFFFFD800  }
0xac: {  	_ =	sfence.sel $0x180000  }
0xad: {  	[bflag:$0x0] =	sbarrier.arrive $0xFFFF  }
0xae: {  	_ =	strace $0x9000004A  }
0xaf: {  	s0 =	stileid.u32;
	[bflag:$0x2] =	sbarrier.arrive $0xFFFF  }
0xb0: {  	p0 =	sne.s32 s0, $0x0;
	s0 =	rddreg [dreg:$0x2]  }
0xb1: {  	s0 =	sadd.s32 @!p0 $0x100000, s0  }
0xb2: {  	[sflag:s0] =	ssyncadd.tile.s32 @!p0 $0x1;
	_ =	shalt  }
.Lfunc_end2:
_tile_overlayer_lowered:
.L_overlay_start_2:
0xb3: {  	(tag) =	ssettag $0x2  }
0xb4: {  	s0 =	rddreg [dreg:$0x0];
	s2 =	stileid.u32  }
0xb5: {  	s1 =	rddreg [dreg:$0x1];
	p0 =	sne.s32 s2, $0x0  }
0xb6: {  	s3 =	rddreg [dreg:$0x2];
	[bflag:$0x3] =	sbarrier.arrive $0xFFFF;
	s2 =	simm.s32 @!p0 $0x1C01  }
0xb7: {  	[timem:s3], [sflag:s2] =	dma.local @!p0 [hbm:s0], s1  }
0xb8: {  	s0 =	simm.s32 @!p0 $0x1  }
0xb9: {  	_ =	swait.ge @!p0 [sflag:s0], s1  }
0xba: {  	s1 =	ssub.s32 @!p0 $0x0, s1;
	[sflag:s0] =	ssyncset.done @!p0 $0x0  }
0xbb: {  	[sflag:s0] =	ssyncadd.s32 @!p0 s1  }
0xbc: {  	[bflag:$0x3] =	sbarrier.arrive $0xFFFF  }
0xbd: {  	_ =	shalt  }

// kernel: kernel.14.cloned.1.call-start
scs
__scs_entry_jumppad:
0x0: {  	(pc) =	sbr.rel $0x88, $3  }
0x1: {  	(tag) =	ssettag $0x0;
	lr =	simm.s32 $0x1  }
0x2: {  	[smem:$0x3F98] =	sst lr;
	_ =	strace $0xD0000000  }
0x3: {  	_ = 	snop  }
0x4: {  	_ = 	snop  }
0x5: {  	_ = 	snop  }
0x6: {  	_ = 	snop  }
0x7: {  	_ = 	snop  }
__scs_overlays_trampoline_lowered:
0x8: {  	[smem:$0x3FA7] =	sst s0  }
0x9: {  	[smem:$0x3FA8] =	sst s1  }
0xa: {  	[smem:$0x3FA9] =	sst s2  }
0xb: {  	[smem:$0x3FAA] =	sst s3  }
0xc: {  	[smem:$0x3FAB] =	sst s4  }
0xd: {  	[smem:$0x3FAC] =	sst s5  }
0xe: {  	[smem:$0x3FAD] =	sst s6  }
0xf: {  	[smem:$0x3FAE] =	sst s7  }
0x10: {  	[smem:$0x3FAF] =	sst s8  }
0x11: {  	[smem:$0x3FB0] =	sst s9;
	s0 =	simm.s32 @!p0 $0x0  }
0x12: {  	s1 =	sld [smem:$0x3F96];
	s0 =	simm.s32 @p0 $0x1  }
0x13: {  	[smem:$0x3FB1] =	sst s0;
	s0 =	simm.s32 @!p1 $0x0  }
0x14: {  	s2 =	sld [smem:$0x3F95];
	s0 =	simm.s32 @p1 $0x1  }
0x15: {  	[smem:$0x3FB2] =	sst s0;
	s0 =	simm.s32 @!p2 $0x0  }
0x16: {  	s3 =	sld [smem:$0x3FDB];
	s0 =	simm.s32 @p2 $0x1  }
0x17: {  	s4 =	simm.s32 $0x1BF5;
	[smem:$0x3FB4] =	sst s0  }
0x18: {  	s0 =	sld [smem:$0x3F97];
	_ =	swait.ge [sflag:s4], $0x0  }
0x19: {  	s7 =	sld [smem:$0x3F98]  }
0x1a: {  	s8 =	sadd.s32 $0xFFFFE003, lr  }
0x1b: {  	s9 =	sadd.s32 $0xFFFFFEF7, lr;
	s5 =	simm.s32 $0xFFFFFFFF;
	p2 =	slt.u32 s8, $0xFFFFF086  }
0x1c: {  	p1 =	slt.u32 s9, $0xF7A;
	s5 =	simm.s32 @!p2 $0x0  }
0x1d: {  	s5 =	simm.s32 @p1 $0x1;
	p0 =	seq.s32 s7, s2  }
0x1e: {  	s7 =	smul.u32 @!p0 $0xF7A, s2;
	p2 =	seq.s32 @!p0 s5, $0x0  }
0x1f: {  	s9 =	smul.u32 $0xF7A, s1;
	s8 =	simm.s32 @!p0 $0x1BF5;
	p2 =	por !p2, p0  }
0x20: {  	[sflag:s8] =	ssyncset.s32 @!p0 $0xFFFFF086;
	s6 =	sadd.s32 @!p0 s3, s7;
	s7 =	simm.s32 @!p0 $0x108  }
0x21: {  	s3 =	sadd.s32 s3, s9;
	s6 =	sadd.s32 @!p0 $0x88, s6;
	s7 =	simm.s32 @p2 $0x1082  }
0x22: {  	[simem:s7], [sflag:s8] =	dma.local @!p0 [hbm:s6], $0xF7A  }
0x23: {  	s9 =	sor.u32 $0xD0000000, s2;
	s6 =	simm.s32 $0x108;
	_ =	swait.ge @!p0 [sflag:s8], $0x0  }
0x24: {  	s3 =	sadd.s32 $0x88, s3;
	s6 =	simm.s32 @!p1 $0x1082;
	[sflag:s4] =	ssyncset.s32 $0xFFFFF086  }
0x25: {  	[simem:s6], [sflag:s4] =	dma.local [hbm:s3], $0xF7A  }
0x26: {  	[smem:$0x3F98] =	sst s1;
	(tag) =	ssettag s2;
	_ =	strace s9  }
0x27: {  	s1 =	sld [smem:$0x3FA8]  }
0x28: {  	s2 =	sld [smem:$0x3FA9]  }
0x29: {  	s4 =	sld [smem:$0x3FAB]  }
0x2a: {  	p0 =	seq.s32 s5, $0x0;
	s5 =	sld [smem:$0x3FAC]  }
0x2b: {  	s6 =	sld [smem:$0x3FAD]  }
0x2c: {  	s7 =	sld [smem:$0x3FAE]  }
0x2d: {  	s3 =	simm.s32 $0x108;
	s8 =	sld [smem:$0x3FAF]  }
0x2e: {  	s3 =	simm.s32 @!p0 $0x1082;
	s9 =	sld [smem:$0x3FB0]  }
0x2f: {  	lr =	sadd.s32 s0, s3;
	s0 =	sld [smem:$0x3FA7]  }
0x30: {  	s3 =	sld [smem:$0x3FAA]  }
0x31: {  	[smem:$0x3FB3] =	sst s10  }
0x32: {  	s10 =	sld [smem:$0x3FB1];
	_ =	sdelay $0x3  }
0x33: {  	p0 =	seq.s32 s10, $0x1;
	s10 =	sld [smem:$0x3FB3];
	_ =	sdelay $0x3  }
0x34: {  	[smem:$0x3FB3] =	sst s10  }
0x35: {  	s10 =	sld [smem:$0x3FB2];
	_ =	sdelay $0x3  }
0x36: {  	p1 =	seq.s32 s10, $0x1;
	s10 =	sld [smem:$0x3FB3];
	_ =	sdelay $0x3  }
0x37: {  	[smem:$0x3FB3] =	sst s10  }
0x38: {  	s10 =	sld [smem:$0x3FB4]  }
0x39: {  	_ = 	snop;
	(pc) =	sbr.ind lr, $3  }
0x3a: {  	_ = 	snop  }
0x3b: {  	_ = 	snop  }
0x3c: {  	p2 =	seq.s32 s10, $0x1;
	s10 =	sld [smem:$0x3FB3]  }
0x3d: {  	_ =	shalt  }
0x3e: {  	_ =	shalt  }
0x3f: {  	_ =	shalt  }
0x40: {  	_ =	shalt  }
0x41: {  	_ =	shalt  }
0x42: {  	_ =	shalt  }
0x43: {  	_ =	shalt  }
0x44: {  	_ =	shalt  }
0x45: {  	_ =	shalt  }
0x46: {  	_ =	shalt  }
0x47: {  	_ =	shalt  }
0x48: {  	_ =	shalt  }
0x49: {  	_ =	shalt  }
0x4a: {  	_ =	shalt  }
0x4b: {  	_ =	shalt  }
0x4c: {  	_ =	shalt  }
0x4d: {  	_ =	shalt  }
0x4e: {  	_ =	shalt  }
0x4f: {  	_ =	shalt  }
0x50: {  	_ =	shalt  }
0x51: {  	_ =	shalt  }
0x52: {  	_ =	shalt  }
0x53: {  	_ =	shalt  }
0x54: {  	_ =	shalt  }
0x55: {  	_ =	shalt  }
0x56: {  	_ =	shalt  }
0x57: {  	_ =	shalt  }
0x58: {  	_ =	shalt  }
0x59: {  	_ =	shalt  }
0x5a: {  	_ =	shalt  }
0x5b: {  	_ =	shalt  }
0x5c: {  	_ =	shalt  }
0x5d: {  	_ =	shalt  }
0x5e: {  	_ =	shalt  }
0x5f: {  	_ =	shalt  }
0x60: {  	_ =	shalt  }
0x61: {  	_ =	shalt  }
0x62: {  	_ =	shalt  }
0x63: {  	_ =	shalt  }
0x64: {  	_ =	shalt  }
0x65: {  	_ =	shalt  }
0x66: {  	_ =	shalt  }
0x67: {  	_ =	shalt  }
0x68: {  	_ =	shalt  }
0x69: {  	_ =	shalt  }
0x6a: {  	_ =	shalt  }
0x6b: {  	_ =	shalt  }
0x6c: {  	_ =	shalt  }
0x6d: {  	_ =	shalt  }
0x6e: {  	_ =	shalt  }
0x6f: {  	_ =	shalt  }
0x70: {  	_ =	shalt  }
0x71: {  	_ =	shalt  }
0x72: {  	_ =	shalt  }
0x73: {  	_ =	shalt  }
0x74: {  	_ =	shalt  }
0x75: {  	_ =	shalt  }
0x76: {  	_ =	shalt  }
0x77: {  	_ =	shalt  }
0x78: {  	_ =	shalt  }
0x79: {  	_ =	shalt  }
0x7a: {  	_ =	shalt  }
0x7b: {  	_ =	shalt  }
0x7c: {  	_ =	shalt  }
0x7d: {  	_ =	shalt  }
0x7e: {  	_ =	shalt  }
0x7f: {  	_ =	shalt  }
0x80: {  	_ =	shalt  }
0x81: {  	_ =	shalt  }
0x82: {  	_ =	shalt  }
0x83: {  	_ =	shalt  }
0x84: {  	_ =	shalt  }
0x85: {  	_ =	shalt  }
0x86: {  	_ =	shalt  }
0x87: {  	_ =	shalt  }
.Lfunc_end0:
.L_simem_size_0:
called_computation.2_lowered:
.L_overlay_start_0:
0x88: {  	s2 =	sld [smem:$0x3FD9]  }
0x89: {  	s3 =	sld [smem:$0x3FFE];
	_ =	sdelay $0x1  }
0x8a: {  	s1 =	srdreg.scid  }
0x8b: {  	s0 =	sand.u32 $0x1, s1  }
0x8c: {  	s16 =	sshll.u32 s0, $0xA;
	s2 =	sadd.s32 s3, s2  }
0x8d: {  	s2 =	sadd.s32 s2, s16  }
0x8e: {  	[smem:$0x3FBF] =	sst s2  }
0x8f: {  	_ = 	snop  }
0x90: {  	(tm) =	ssettm $0x1  }
0x91: {  	s17 =	sld [smem:$0x3FFB];
	_ =	sdelay $0x3  }
0x92: {  	_ =	strace s17  }
0x93: {  	s2 =	sld [smem:$0x3FFC];
	_ =	sdelay $0x3  }
0x94: {  	_ =	strace s2  }
0x95: {  	s2 =	sld [smem:$0x3FFD];
	_ =	sdelay $0x3  }
0x96: {  	_ =	strace s2  }
0x97: {  	_ =	strace $0x8FFFFFFF  }
0x98: {  	s18 =	sld [smem:$0x3FDB];
	_ =	sdelay $0x1  }
0x99: {  	s19 =	simm.s32 $_scs_section_size  }
0x9a: {  	s4 =	simm.s32 $_size__tile_overlayer_lowered;
	s5 =	simm.s32 $_tile_overlayer_lowered  }
0x9b: {  	s22 =	simm.s32 $0x1BFF;
	s21 =	sshll.u32 s5, $0x1;
	s2 =	sadd.s32 s19, s18  }
0x9c: {  	s6 =	simm.s32 $0x0;
	s20 =	sshll.u32 s4, $0x1;
	s4 =	sadd.s32 s21, s2  }
0x9d: {  	[timem:s6], [sflag:s22] =	dma.local [hbm:s4], s20  }
0x9e: {  	_ =	swait.ge [sflag:s22], s20  }
0x9f: {  	s3 =	ssub.s32 $0x0, s20;
	[sflag:s22] =	ssyncset.done $0x0  }
0xa0: {  	[sflag:s22] =	ssyncadd.s32 s3;
	_ =	sdelay $0x1  }
0xa1: {  	s23 =	simm.s32 $0x1B8B  }
0xa2: {  	_ =	swait.ge [sflag:s23], $0x1  }
0xa3: {  	[sflag:s23] =	ssyncset.done $0x0  }
0xa4: {  	s25 =	simm.s32 $0x1B8E;
	s24 =	sld [smem:$0x3FFE];
	[sflag:s23] =	ssyncadd.s32 $0xFFFFFFFF  }
0xa5: {  	s26 =	simm.s32 $execute0_lowered;
	[smem:$0x3FD2] =	sst s25  }
0xa6: {  	s4 =	sshll.u32 s26, $0x1;
	_ =	strace $0x8000004C;
	[dreg:$0x1] =	wrdreg $0xFFFFFFFF  }
0xa7: {  	s28 =	simm.s32 $_size_execute0_lowered;
	s2 =	sadd.s32 s2, s4;
	[dreg:$0x0] =	wrdreg $0x0  }
0xa8: {  	s4 =	sshll.u32 s28, $0x1;
	[dreg:$0x2] =	wrdreg s2  }
0xa9: {  	[dreg:$0x3] =	wrdreg s4  }
0xaa: {  	[dreg:$0x4] =	wrdreg $0xC0  }
0xab: {  	_ =	task [dreg:s6], $0x5FFFF  }
0xac: {  	[dreg:$0x1] =	wrdreg $0xFFFFFFFF  }
0xad: {  	[dreg:$0x0] =	wrdreg $0x60  }
0xae: {  	[dreg:$0x2] =	wrdreg s24  }
0xaf: {  	[dreg:$0x3] =	wrdreg $0x82000  }
0xb0: {  	[dreg:$0x4] =	wrdreg $0x9  }
0xb1: {  	_ =	task.clear_ibuf [dreg:s6], $0x5FFFF;
	_ =	strace $0x9000004C  }
0xb2: {  	s29 =	simm.s32 $0x9;
	_ =	strace $0x8000004E  }
0xb3: {  	_ =	swait.ge [sflag:s29], $0x1  }
0xb4: {  	[sflag:s29] =	ssyncadd.s32 $0xFFFFFFFF  }
0xb5: {  	_ =	strace $0x9000004E  }
0xb6: {  	_ =	sfence  }
0xb7: {  	s30 =	sld [smem:$0x0];
	_ =	sdelay $0x2  }
0xb8: {  	s31 =	sshll.u32 s1, $0xD;
	s1 =	sshrl.u32 s1, $0x2  }
0xb9: {  	s3 =	sand.u32 $0x4000, s31;
	s1 =	sadd.s32 s1, s30  }
0xba: {  	s0 =	sor.u32 s3, s0;
	s1 =	sshll.u32 s1, $0x11  }
0xbb: {  	s0 =	sor.u32 s1, s0  }
0xbc: {  	s0 =	sadd.s32 $0x8F2B, s0  }
0xbd: {  	[sflag:s0] =	ssyncadd.remote.s32 $0x1  }
0xbe: {  	_ =	sfence.sel $0xFFFF  }
0xbf: {  	[dreg:$0x0] =	wrdreg $0xFFFFFFFF;
	(pc) =	sbr.abs _section_cstart, $3  }
0xc0: {  	[dreg:$0x1] =	wrdreg $0xFFFFFFFF  }
0xc1: {  	_ =	task.clear_ibuf [dreg:s6], $0x2FFFF;
	_ =	strace $0x9FFFFFFF  }
0xc2: {  	(tm) =	ssettm $0x7FFFFFFF  }
0xc3: {  	_ =	shalt  }
tec
execute0_lowered:
.L_overlay_start_1:
0x0: {  	(tag) =	ssettag $0x1  }
0x1: {  	s5 =	rddreg [dreg:$0x0]  }
0x2: {  	s1 =	rddreg [dreg:$0x1];
	s2 =	srdreg.scid  }
0x3: {  	s3 =	simm.s32 $0x0;
	s0 =	stileid.u32;
	s18 =	simm.s32 $0x100  }
0x4: {  	s19 =	simm.s32 $0x80;
	s20 =	simm.s32 $0x180;
	s21 =	simm.s32 $0x3  }
0x5: {  	s22 =	simm.s32 $0x4;
	s23 =	simm.s32 $0x4200;
	s7 =	smul.u32 $0x14000, s0  }
0x6: {  	s24 =	simm.s32 $0x5;
	s25 =	simm.s32 $0x6;
	s29 =	smul.u32 $0x50000, s0  }
0x7: {  	s26 =	simm.s32 $0x2;
	s28 =	simm.s32 $0x0;
	s12 =	smul.u32 $0x50, s0  }
0x8: {  	s11 =	sand.u32 $0x1, s2;
	[smem:$0x7FF] =	sst s3;
	s17 =	smul.u32 $0x500, s0  }
0x9: {  	s4 =	sadd.s32 $0x17A00, s5;
	s13 =	sadd.s32 $0xD800, s5;
	s6 =	smul.u32 $0x140000, s11  }
0xa: {  	s14 =	sadd.s32 $0x2C00, s5;
	s8 =	ssub.s32 $0x2, s11;
	s9 =	smul.u32 $0x500, s11  }
0xb: {  	_ =	strace $0x8000004D;
	s16 =	smul.u32 $0x5000, s11;
	s10 =	sshrl.u32 s8, $0x1  }
0xc: {  	s6 =	sadd.s32 s7, s6;
	s7 =	sshrl.u32 s29, $0x2;
	s30 =	sadd.s32 s12, s9  }
0xd: {  	s8 =	ssub.s32 s8, s10;
	s6 =	sshrl.u32 s6, $0x3;
	s15 =	sshll.u32 s30, $0x4  }
0xe: {  	s6 =	sadd.s32 s6, s5;
	s5 =	sadd.s32 s7, s1;
	s7 =	smax.u32 s8, $0x1  }
0xf: {  	s31 =	sadd.s32 s15, s13;
	s15 =	sadd.s32 s15, s14;
	s14 =	sadd.s32 s16, s14  }
0x10: {  	s16 =	sadd.s32 s16, s13;
	s6 =	sadd.s32 $0x3FA00, s6;
	s8 =	sadd.s32 $0x4000, s5  }
0x11: {  	s9 =	sadd.s32 $0x8000, s5;
	s10 =	sadd.s32 $0xC000, s5;
	s11 =	sadd.s32 $0x10000, s5  }
0x12: {  	s12 =	sadd.s32 $0x10, s31;
	s13 =	sadd.s32 $0x10, s15;
	s14 =	sadd.s32 s17, s14  }
0x13: {  	v0 =	vimm.f32 $0.0e+00;
	s15 =	sadd.s32 s17, s16;
	s16 =	simm.s32 $0x200;
	s17 =	simm.s32 $0x1  }
.LBB2_1:
0x14: {  	s29 =	simm.s32 $0x0;
	s30 =	simm.s32 $0x200  }
.LBB2_2:
0x15: {  	p0 =	sne.s32 s30, $0xFE00;
	[tilespmem:s29+$0x270] =	vst v0  }
0x16: {  	[tilespmem:s29+$0x200] =	vst v0  }
0x17: {  	[tilespmem:s29+$0x210] =	vst v0  }
.Ltmp0:
0x18: {  	[tilespmem:s29+$0x220] =	vst v0;
	(pc) =	sbr.rel @p0 .LBB2_2-.Ltmp0, $4  }
0x19: {  	[tilespmem:s29+$0x230] =	vst v0  }
0x1a: {  	[tilespmem:s29+$0x240] =	vst v0  }
0x1b: {  	[tilespmem:s29+$0x250] =	vst v0  }
0x1c: {  	[tilespmem:s29+$0x260] =	vst v0;
	s29 =	sshra.s32 s30, $0x2;
	s30 =	sadd.s32 $0x200, s30  }
0x1d: {  	[tilespmem:s29+$0x270] =	vst v0  }
0x1e: {  	[tilespmem:s29+$0x200] =	vst v0  }
0x1f: {  	[tilespmem:s29+$0x210] =	vst v0  }
0x20: {  	[tilespmem:s29+$0x220] =	vst v0  }
0x21: {  	[tilespmem:s29+$0x230] =	vst v0  }
0x22: {  	[tilespmem:s29+$0x240] =	vst v0  }
0x23: {  	[tilespmem:s29+$0x250] =	vst v0  }
0x24: {  	[tilespmem:s29+$0x260] =	vst v0  }
0x25: {  	[spmem:s5] =	stream.linear.scatter [tilespmem:s16], [sflag:$0x1], $0x4000, $0x38;
	[tilespmem:$0x1C200] =	vst v63  }
0x26: {  	_ =	swait.ge [sflag:s17], $0x4000  }
0x27: {  	[sflag:s17] =	ssyncset.done $0x0  }
0x28: {  	[sflag:s17] =	ssyncadd.s32 $0xFFFFC000  }
0x29: {  	[spmem:s8] =	stream.linear.scatter [tilespmem:s16], [sflag:$0x1], $0x4000, $0x38;
	[tilespmem:$0x1C200] =	vst v63  }
0x2a: {  	_ =	swait.ge [sflag:s17], $0x4000  }
0x2b: {  	[sflag:s17] =	ssyncset.done $0x0  }
0x2c: {  	[sflag:s17] =	ssyncadd.s32 $0xFFFFC000  }
0x2d: {  	[spmem:s9] =	stream.linear.scatter [tilespmem:s16], [sflag:$0x1], $0x4000, $0x38;
	[tilespmem:$0x1C200] =	vst v63  }
0x2e: {  	_ =	swait.ge [sflag:s17], $0x4000  }
0x2f: {  	[sflag:s17] =	ssyncset.done $0x0  }
0x30: {  	[sflag:s17] =	ssyncadd.s32 $0xFFFFC000  }
0x31: {  	[spmem:s10] =	stream.linear.scatter [tilespmem:s16], [sflag:$0x1], $0x4000, $0x38;
	[tilespmem:$0x1C200] =	vst v63  }
0x32: {  	_ =	swait.ge [sflag:s17], $0x4000  }
0x33: {  	[sflag:s17] =	ssyncset.done $0x0  }
0x34: {  	[sflag:s17] =	ssyncadd.s32 $0xFFFFC000  }
0x35: {  	[spmem:s11] =	stream.linear.scatter [tilespmem:s16], [sflag:$0x1], $0x4000, $0x38;
	[tilespmem:$0x1C200] =	vst v63  }
0x36: {  	_ =	swait.ge [sflag:s17], $0x4000  }
0x37: {  	[sflag:s17] =	ssyncset.done $0x0  }
0x38: {  	[sflag:s17] =	ssyncadd.s32 $0xFFFFC000  }
0x39: {  	s29 =	sadd.s32 $0x0, s15;
	[bflag:$0x0] =	sbarrier.arrive $0xFFFF  }
0x3a: {  	[tilespmem:s3], [sflag:$0x3] =	stream.linear.gather [hbm4b:s29+s3], $0x80, $0x38;
	[tilespmem:$0x1C200] =	vst v63  }
0x3b: {  	s29 =	sadd.s32 $0x0, s14  }
0x3c: {  	[tilespmem:s18], [sflag:$0x5] =	stream.linear.gather [hbm4b:s29+s3], $0x80, $0x38;
	[tilespmem:$0x1C200] =	vst v63  }
0x3d: {  	s29 =	sadd.s32 $0x0, s12  }
0x3e: {  	[tilespmem:s19], [sflag:$0x4] =	stream.linear.gather [hbm4b:s29+s3], $0x80, $0x38;
	[tilespmem:$0x1C200] =	vst v63  }
0x3f: {  	s29 =	sadd.s32 $0x0, s13  }
0x40: {  	[tilespmem:s20], [sflag:$0x6] =	stream.linear.gather [hbm4b:s29+s3], $0x80, $0x38;
	[tilespmem:$0x1C200] =	vst v63  }
0x41: {  	_ =	swait.ge [sflag:s21], $0x80  }
0x42: {  	[sflag:s21] =	ssyncset.done $0x0  }
0x43: {  	[sflag:s21] =	ssyncadd.s32 $0xFFFFFF80  }
0x44: {  	[tilespmem:s16], [sflag:$0x1] =	stream.indirect.gather [hbm4b:s4+s19], $0x80, s3, s19, $0xb8;
	[tilespmem:$0x1C200] =	vst v63  }
0x45: {  	_ =	swait.ge [sflag:s22], $0x80  }
0x46: {  	[sflag:s22] =	ssyncset.done $0x0  }
0x47: {  	[sflag:s22] =	ssyncadd.s32 $0xFFFFFF80  }
0x48: {  	[tilespmem:s23], [sflag:$0x2] =	stream.indirect.gather [hbm4b:s4+s19], $0x80, s19, s19, $0xb8;
	[tilespmem:$0x1C200] =	vst v63  }
0x49: {  	_ =	swait.ge [sflag:s24], $0x80  }
0x4a: {  	[sflag:s24] =	ssyncset.done $0x0  }
0x4b: {  	[sflag:s24] =	ssyncadd.s32 $0xFFFFFF80  }
0x4c: {  	_ =	swait.ge [sflag:s25], $0x80  }
0x4d: {  	[sflag:s25] =	ssyncset.done $0x0  }
0x4e: {  	[sflag:s25] =	ssyncadd.s32 $0xFFFFFF80  }
0x4f: {  	_ =	swait.ge [sflag:s17], $0x4000  }
0x50: {  	[sflag:s17] =	ssyncset.done $0x0  }
0x51: {  	[sflag:s17] =	ssyncadd.s32 $0xFFFFC000  }
0x52: {  	_ =	swait.ge [sflag:s26], $0x4000  }
0x53: {  	[sflag:s26] =	ssyncset.done $0x0  }
0x54: {  	[sflag:s26] =	ssyncadd.s32 $0xFFFFC000  }
0x55: {  	[spmem:s1] =	stream.indirect.scatter.add.f32 [tilespmem:s16], [sflag:$0x1], $0x80, s18, s19, $0xb8;
	[tilespmem:$0x1C200] =	vst v63  }
0x56: {  	_ = 	snop  }
0x57: {  	[spmem:s1] =	stream.indirect.scatter.add.f32 [tilespmem:s23], [sflag:$0x2], $0x80, s20, s19, $0xb8;
	[tilespmem:$0x1C200] =	vst v63  }
0x58: {  	_ =	swait.ge [sflag:s17], $0x4000  }
0x59: {  	[sflag:s17] =	ssyncset.done $0x0  }
0x5a: {  	[sflag:s17] =	ssyncadd.s32 $0xFFFFC000  }
0x5b: {  	_ =	swait.ge [sflag:s26], $0x4000  }
0x5c: {  	s31 =	simm.s32 $0x40;
	s29 =	simm.s32 $0x20;
	[sflag:s26] =	ssyncset.done $0x0  }
.LBB2_4:
0x5d: {  	s0 =	sadd.s32 s29, s15  }
0x5e: {  	[sflag:s26] =	ssyncadd.s32 $0xFFFFC000;
	s2 =	smov.u32 s31;
	s30 =	sadd.s32 $0x20, s31  }
0x5f: {  	[tilespmem:s3], [sflag:$0x3] =	stream.linear.gather [hbm4b:s0+s3], $0x80, $0x38;
	[tilespmem:$0x1C200] =	vst v63  }
0x60: {  	p0 =	sne.s32 s31, $0x4E0;
	s0 =	sadd.s32 s29, s14  }
0x61: {  	[tilespmem:s18], [sflag:$0x5] =	stream.linear.gather [hbm4b:s0+s3], $0x80, $0x38;
	[tilespmem:$0x1C200] =	vst v63  }
0x62: {  	s0 =	sadd.s32 s29, s12  }
0x63: {  	[tilespmem:s19], [sflag:$0x4] =	stream.linear.gather [hbm4b:s0+s3], $0x80, $0x38;
	[tilespmem:$0x1C200] =	vst v63  }
0x64: {  	s0 =	sadd.s32 s29, s13;
	s29 =	smov.u32 s2  }
0x65: {  	[tilespmem:s20], [sflag:$0x6] =	stream.linear.gather [hbm4b:s0+s3], $0x80, $0x38;
	[tilespmem:$0x1C200] =	vst v63  }
0x66: {  	_ =	swait.ge [sflag:s21], $0x80  }
0x67: {  	[sflag:s21] =	ssyncset.done $0x0  }
0x68: {  	[sflag:s21] =	ssyncadd.s32 $0xFFFFFF80  }
0x69: {  	[tilespmem:s16], [sflag:$0x1] =	stream.indirect.gather [hbm4b:s4+s19], $0x80, s3, s19, $0xb8;
	[tilespmem:$0x1C200] =	vst v63  }
0x6a: {  	_ =	swait.ge [sflag:s22], $0x80  }
0x6b: {  	[sflag:s22] =	ssyncset.done $0x0  }
0x6c: {  	[sflag:s22] =	ssyncadd.s32 $0xFFFFFF80  }
0x6d: {  	[tilespmem:s23], [sflag:$0x2] =	stream.indirect.gather [hbm4b:s4+s19], $0x80, s19, s19, $0xb8;
	[tilespmem:$0x1C200] =	vst v63  }
0x6e: {  	_ =	swait.ge [sflag:s24], $0x80  }
0x6f: {  	[sflag:s24] =	ssyncset.done $0x0  }
0x70: {  	[sflag:s24] =	ssyncadd.s32 $0xFFFFFF80  }
0x71: {  	_ =	swait.ge [sflag:s25], $0x80  }
0x72: {  	[sflag:s25] =	ssyncset.done $0x0  }
0x73: {  	[sflag:s25] =	ssyncadd.s32 $0xFFFFFF80  }
0x74: {  	_ =	swait.ge [sflag:s17], $0x4000  }
0x75: {  	[sflag:s17] =	ssyncset.done $0x0  }
0x76: {  	[sflag:s17] =	ssyncadd.s32 $0xFFFFC000  }
0x77: {  	_ =	swait.ge [sflag:s26], $0x4000  }
0x78: {  	[sflag:s26] =	ssyncset.done $0x0  }
0x79: {  	[sflag:s26] =	ssyncadd.s32 $0xFFFFC000  }
0x7a: {  	[spmem:s1] =	stream.indirect.scatter.add.f32 [tilespmem:s16], [sflag:$0x1], $0x80, s18, s19, $0xb8;
	[tilespmem:$0x1C200] =	vst v63  }
0x7b: {  	_ = 	snop  }
0x7c: {  	[spmem:s1] =	stream.indirect.scatter.add.f32 [tilespmem:s23], [sflag:$0x2], $0x80, s20, s19, $0xb8;
	[tilespmem:$0x1C200] =	vst v63  }
.Ltmp1:
0x7d: {  	_ =	swait.ge [sflag:s17], $0x4000;
	(pc) =	sbr.rel @p0 .LBB2_4-.Ltmp1, $4  }
0x7e: {  	[sflag:s17] =	ssyncset.done $0x0  }
0x7f: {  	[sflag:s17] =	ssyncadd.s32 $0xFFFFC000  }
0x80: {  	_ =	swait.ge [sflag:s26], $0x4000  }
0x81: {  	s31 =	smov.u32 s30;
	[sflag:s26] =	ssyncset.done $0x0  }
0x82: {  	s0 =	sadd.s32 s29, s15;
	[sflag:s26] =	ssyncadd.s32 $0xFFFFC000  }
0x83: {  	[tilespmem:s3], [sflag:$0x3] =	stream.linear.gather [hbm4b:s0+s3], $0x80, $0x38;
	[tilespmem:$0x1C200] =	vst v63  }
0x84: {  	s31 =	sadd.s32 s29, s14  }
0x85: {  	[tilespmem:s18], [sflag:$0x5] =	stream.linear.gather [hbm4b:s31+s3], $0x80, $0x38;
	[tilespmem:$0x1C200] =	vst v63  }
0x86: {  	s2 =	sadd.s32 s29, s12  }
0x87: {  	[tilespmem:s19], [sflag:$0x4] =	stream.linear.gather [hbm4b:s2+s3], $0x80, $0x38;
	[tilespmem:$0x1C200] =	vst v63  }
0x88: {  	s30 =	sadd.s32 s29, s13  }
0x89: {  	[tilespmem:s20], [sflag:$0x6] =	stream.linear.gather [hbm4b:s30+s3], $0x80, $0x38;
	[tilespmem:$0x1C200] =	vst v63  }
0x8a: {  	_ =	swait.ge [sflag:s21], $0x80  }
0x8b: {  	[sflag:s21] =	ssyncset.done $0x0  }
0x8c: {  	[sflag:s21] =	ssyncadd.s32 $0xFFFFFF80  }
0x8d: {  	[tilespmem:s16], [sflag:$0x1] =	stream.indirect.gather [hbm4b:s4+s19], $0x80, s3, s19, $0xb8;
	[tilespmem:$0x1C200] =	vst v63  }
0x8e: {  	_ =	swait.ge [sflag:s22], $0x80  }
0x8f: {  	[sflag:s22] =	ssyncset.done $0x0  }
0x90: {  	[sflag:s22] =	ssyncadd.s32 $0xFFFFFF80  }
0x91: {  	[tilespmem:s23], [sflag:$0x2] =	stream.indirect.gather [hbm4b:s4+s19], $0x80, s19, s19, $0xb8;
	[tilespmem:$0x1C200] =	vst v63  }
0x92: {  	_ =	swait.ge [sflag:s24], $0x80  }
0x93: {  	[sflag:s24] =	ssyncset.done $0x0  }
0x94: {  	[sflag:s24] =	ssyncadd.s32 $0xFFFFFF80  }
0x95: {  	_ =	swait.ge [sflag:s25], $0x80  }
0x96: {  	[sflag:s25] =	ssyncset.done $0x0  }
0x97: {  	[sflag:s25] =	ssyncadd.s32 $0xFFFFFF80  }
0x98: {  	_ =	swait.ge [sflag:s17], $0x4000  }
0x99: {  	[sflag:s17] =	ssyncset.done $0x0  }
0x9a: {  	[sflag:s17] =	ssyncadd.s32 $0xFFFFC000  }
0x9b: {  	_ =	swait.ge [sflag:s26], $0x4000  }
0x9c: {  	[sflag:s26] =	ssyncset.done $0x0  }
0x9d: {  	[sflag:s26] =	ssyncadd.s32 $0xFFFFC000  }
0x9e: {  	[spmem:s1] =	stream.indirect.scatter.add.f32 [tilespmem:s16], [sflag:$0x1], $0x80, s18, s19, $0xb8;
	[tilespmem:$0x1C200] =	vst v63  }
0x9f: {  	_ = 	snop  }
0xa0: {  	[spmem:s1] =	stream.indirect.scatter.add.f32 [tilespmem:s23], [sflag:$0x2], $0x80, s20, s19, $0xb8;
	[tilespmem:$0x1C200] =	vst v63  }
0xa1: {  	_ =	swait.ge [sflag:s17], $0x4000  }
0xa2: {  	[sflag:s17] =	ssyncset.done $0x0  }
0xa3: {  	[sflag:s17] =	ssyncadd.s32 $0xFFFFC000  }
0xa4: {  	s31 =	stileid.u32;
	_ =	swait.ge [sflag:s26], $0x4000  }
0xa5: {  	s28 =	sadd.s32 $0x1, s28;
	s0 =	sshll.u32 s31, $0x6;
	[sflag:s26] =	ssyncset.done $0x0  }
0xa6: {  	p0 =	sne.s32 s28, s7;
	s0 =	sor.u32 $0x1C01, s0;
	[sflag:s26] =	ssyncadd.s32 $0xFFFFC000  }
.Ltmp2:
0xa7: {  	s2 =	sshrl.u32 s5, $0x3;
	[bflag:$0x0] =	sbarrier.arrive $0xFFFF;
	(pc) =	sbr.rel @p0 .LBB2_1-.Ltmp2, $4  }
0xa8: {  	[hbm:s6], [sflag:s0] =	dma.local [spmem:s2], $0x2800  }
0xa9: {  	_ =	swait.ge [sflag:s17], $0x2800  }
0xaa: {  	[sflag:s17] =	ssyncset.done $0x0  }
0xab: {  	[sflag:s17] =	ssyncadd.s32 $0xFFFFD800  }
0xac: {  	_ =	sfence.sel $0x180000  }
0xad: {  	[bflag:$0x0] =	sbarrier.arrive $0xFFFF  }
0xae: {  	_ =	strace $0x9000004D  }
0xaf: {  	s0 =	stileid.u32;
	[bflag:$0x2] =	sbarrier.arrive $0xFFFF  }
0xb0: {  	p0 =	sne.s32 s0, $0x0;
	s0 =	rddreg [dreg:$0x2]  }
0xb1: {  	s0 =	sadd.s32 @!p0 $0x100000, s0  }
0xb2: {  	[sflag:s0] =	ssyncadd.tile.s32 @!p0 $0x1;
	_ =	shalt  }
.Lfunc_end2:
_tile_overlayer_lowered:
.L_overlay_start_2:
0xb3: {  	(tag) =	ssettag $0x2  }
0xb4: {  	s0 =	rddreg [dreg:$0x0];
	s2 =	stileid.u32  }
0xb5: {  	s1 =	rddreg [dreg:$0x1];
	p0 =	sne.s32 s2, $0x0  }
0xb6: {  	s3 =	rddreg [dreg:$0x2];
	[bflag:$0x3] =	sbarrier.arrive $0xFFFF;
	s2 =	simm.s32 @!p0 $0x1C01  }
0xb7: {  	[timem:s3], [sflag:s2] =	dma.local @!p0 [hbm:s0], s1  }
0xb8: {  	s0 =	simm.s32 @!p0 $0x1  }
0xb9: {  	_ =	swait.ge @!p0 [sflag:s0], s1  }
0xba: {  	s1 =	ssub.s32 @!p0 $0x0, s1;
	[sflag:s0] =	ssyncset.done @!p0 $0x0  }
0xbb: {  	[sflag:s0] =	ssyncadd.s32 @!p0 s1  }
0xbc: {  	[bflag:$0x3] =	sbarrier.arrive $0xFFFF  }
0xbd: {  	_ =	shalt  }

// kernel: kernel.8.cloned.1.call-start
scs
__scs_entry_jumppad:
0x0: {  	(pc) =	sbr.rel $0x88, $3  }
0x1: {  	(tag) =	ssettag $0x0;
	lr =	simm.s32 $0x1  }
0x2: {  	[smem:$0x3F98] =	sst lr;
	_ =	strace $0xD0000000  }
0x3: {  	_ = 	snop  }
0x4: {  	_ = 	snop  }
0x5: {  	_ = 	snop  }
0x6: {  	_ = 	snop  }
0x7: {  	_ = 	snop  }
__scs_overlays_trampoline_lowered:
0x8: {  	[smem:$0x3FA7] =	sst s0  }
0x9: {  	[smem:$0x3FA8] =	sst s1  }
0xa: {  	[smem:$0x3FA9] =	sst s2  }
0xb: {  	[smem:$0x3FAA] =	sst s3  }
0xc: {  	[smem:$0x3FAB] =	sst s4  }
0xd: {  	[smem:$0x3FAC] =	sst s5  }
0xe: {  	[smem:$0x3FAD] =	sst s6  }
0xf: {  	[smem:$0x3FAE] =	sst s7  }
0x10: {  	[smem:$0x3FAF] =	sst s8  }
0x11: {  	[smem:$0x3FB0] =	sst s9;
	s0 =	simm.s32 @!p0 $0x0  }
0x12: {  	s1 =	sld [smem:$0x3F96];
	s0 =	simm.s32 @p0 $0x1  }
0x13: {  	[smem:$0x3FB1] =	sst s0;
	s0 =	simm.s32 @!p1 $0x0  }
0x14: {  	s2 =	sld [smem:$0x3F95];
	s0 =	simm.s32 @p1 $0x1  }
0x15: {  	[smem:$0x3FB2] =	sst s0;
	s0 =	simm.s32 @!p2 $0x0  }
0x16: {  	s3 =	sld [smem:$0x3FDB];
	s0 =	simm.s32 @p2 $0x1  }
0x17: {  	s4 =	simm.s32 $0x1BF5;
	[smem:$0x3FB4] =	sst s0  }
0x18: {  	s0 =	sld [smem:$0x3F97];
	_ =	swait.ge [sflag:s4], $0x0  }
0x19: {  	s7 =	sld [smem:$0x3F98]  }
0x1a: {  	s8 =	sadd.s32 $0xFFFFE003, lr  }
0x1b: {  	s9 =	sadd.s32 $0xFFFFFEF7, lr;
	s5 =	simm.s32 $0xFFFFFFFF;
	p2 =	slt.u32 s8, $0xFFFFF086  }
0x1c: {  	p1 =	slt.u32 s9, $0xF7A;
	s5 =	simm.s32 @!p2 $0x0  }
0x1d: {  	s5 =	simm.s32 @p1 $0x1;
	p0 =	seq.s32 s7, s2  }
0x1e: {  	s7 =	smul.u32 @!p0 $0xF7A, s2;
	p2 =	seq.s32 @!p0 s5, $0x0  }
0x1f: {  	s9 =	smul.u32 $0xF7A, s1;
	s8 =	simm.s32 @!p0 $0x1BF5;
	p2 =	por !p2, p0  }
0x20: {  	[sflag:s8] =	ssyncset.s32 @!p0 $0xFFFFF086;
	s6 =	sadd.s32 @!p0 s3, s7;
	s7 =	simm.s32 @!p0 $0x108  }
0x21: {  	s3 =	sadd.s32 s3, s9;
	s6 =	sadd.s32 @!p0 $0x88, s6;
	s7 =	simm.s32 @p2 $0x1082  }
0x22: {  	[simem:s7], [sflag:s8] =	dma.local @!p0 [hbm:s6], $0xF7A  }
0x23: {  	s9 =	sor.u32 $0xD0000000, s2;
	s6 =	simm.s32 $0x108;
	_ =	swait.ge @!p0 [sflag:s8], $0x0  }
0x24: {  	s3 =	sadd.s32 $0x88, s3;
	s6 =	simm.s32 @!p1 $0x1082;
	[sflag:s4] =	ssyncset.s32 $0xFFFFF086  }
0x25: {  	[simem:s6], [sflag:s4] =	dma.local [hbm:s3], $0xF7A  }
0x26: {  	[smem:$0x3F98] =	sst s1;
	(tag) =	ssettag s2;
	_ =	strace s9  }
0x27: {  	s1 =	sld [smem:$0x3FA8]  }
0x28: {  	s2 =	sld [smem:$0x3FA9]  }
0x29: {  	s4 =	sld [smem:$0x3FAB]  }
0x2a: {  	p0 =	seq.s32 s5, $0x0;
	s5 =	sld [smem:$0x3FAC]  }
0x2b: {  	s6 =	sld [smem:$0x3FAD]  }
0x2c: {  	s7 =	sld [smem:$0x3FAE]  }
0x2d: {  	s3 =	simm.s32 $0x108;
	s8 =	sld [smem:$0x3FAF]  }
0x2e: {  	s3 =	simm.s32 @!p0 $0x1082;
	s9 =	sld [smem:$0x3FB0]  }
0x2f: {  	lr =	sadd.s32 s0, s3;
	s0 =	sld [smem:$0x3FA7]  }
0x30: {  	s3 =	sld [smem:$0x3FAA]  }
0x31: {  	[smem:$0x3FB3] =	sst s10  }
0x32: {  	s10 =	sld [smem:$0x3FB1];
	_ =	sdelay $0x3  }
0x33: {  	p0 =	seq.s32 s10, $0x1;
	s10 =	sld [smem:$0x3FB3];
	_ =	sdelay $0x3  }
0x34: {  	[smem:$0x3FB3] =	sst s10  }
0x35: {  	s10 =	sld [smem:$0x3FB2];
	_ =	sdelay $0x3  }
0x36: {  	p1 =	seq.s32 s10, $0x1;
	s10 =	sld [smem:$0x3FB3];
	_ =	sdelay $0x3  }
0x37: {  	[smem:$0x3FB3] =	sst s10  }
0x38: {  	s10 =	sld [smem:$0x3FB4]  }
0x39: {  	_ = 	snop;
	(pc) =	sbr.ind lr, $3  }
0x3a: {  	_ = 	snop  }
0x3b: {  	_ = 	snop  }
0x3c: {  	p2 =	seq.s32 s10, $0x1;
	s10 =	sld [smem:$0x3FB3]  }
0x3d: {  	_ =	shalt  }
0x3e: {  	_ =	shalt  }
0x3f: {  	_ =	shalt  }
0x40: {  	_ =	shalt  }
0x41: {  	_ =	shalt  }
0x42: {  	_ =	shalt  }
0x43: {  	_ =	shalt  }
0x44: {  	_ =	shalt  }
0x45: {  	_ =	shalt  }
0x46: {  	_ =	shalt  }
0x47: {  	_ =	shalt  }
0x48: {  	_ =	shalt  }
0x49: {  	_ =	shalt  }
0x4a: {  	_ =	shalt  }
0x4b: {  	_ =	shalt  }
0x4c: {  	_ =	shalt  }
0x4d: {  	_ =	shalt  }
0x4e: {  	_ =	shalt  }
0x4f: {  	_ =	shalt  }
0x50: {  	_ =	shalt  }
0x51: {  	_ =	shalt  }
0x52: {  	_ =	shalt  }
0x53: {  	_ =	shalt  }
0x54: {  	_ =	shalt  }
0x55: {  	_ =	shalt  }
0x56: {  	_ =	shalt  }
0x57: {  	_ =	shalt  }
0x58: {  	_ =	shalt  }
0x59: {  	_ =	shalt  }
0x5a: {  	_ =	shalt  }
0x5b: {  	_ =	shalt  }
0x5c: {  	_ =	shalt  }
0x5d: {  	_ =	shalt  }
0x5e: {  	_ =	shalt  }
0x5f: {  	_ =	shalt  }
0x60: {  	_ =	shalt  }
0x61: {  	_ =	shalt  }
0x62: {  	_ =	shalt  }
0x63: {  	_ =	shalt  }
0x64: {  	_ =	shalt  }
0x65: {  	_ =	shalt  }
0x66: {  	_ =	shalt  }
0x67: {  	_ =	shalt  }
0x68: {  	_ =	shalt  }
0x69: {  	_ =	shalt  }
0x6a: {  	_ =	shalt  }
0x6b: {  	_ =	shalt  }
0x6c: {  	_ =	shalt  }
0x6d: {  	_ =	shalt  }
0x6e: {  	_ =	shalt  }
0x6f: {  	_ =	shalt  }
0x70: {  	_ =	shalt  }
0x71: {  	_ =	shalt  }
0x72: {  	_ =	shalt  }
0x73: {  	_ =	shalt  }
0x74: {  	_ =	shalt  }
0x75: {  	_ =	shalt  }
0x76: {  	_ =	shalt  }
0x77: {  	_ =	shalt  }
0x78: {  	_ =	shalt  }
0x79: {  	_ =	shalt  }
0x7a: {  	_ =	shalt  }
0x7b: {  	_ =	shalt  }
0x7c: {  	_ =	shalt  }
0x7d: {  	_ =	shalt  }
0x7e: {  	_ =	shalt  }
0x7f: {  	_ =	shalt  }
0x80: {  	_ =	shalt  }
0x81: {  	_ =	shalt  }
0x82: {  	_ =	shalt  }
0x83: {  	_ =	shalt  }
0x84: {  	_ =	shalt  }
0x85: {  	_ =	shalt  }
0x86: {  	_ =	shalt  }
0x87: {  	_ =	shalt  }
.Lfunc_end0:
.L_simem_size_0:
called_computation_lowered:
.L_overlay_start_0:
0x88: {  	s2 =	sld [smem:$0x3FD9]  }
0x89: {  	s3 =	sld [smem:$0x3FFE];
	_ =	sdelay $0x1  }
0x8a: {  	s1 =	srdreg.scid  }
0x8b: {  	s0 =	sand.u32 $0x1, s1  }
0x8c: {  	s16 =	sshll.u32 s0, $0xA;
	s2 =	sadd.s32 s3, s2  }
0x8d: {  	s2 =	sadd.s32 s2, s16  }
0x8e: {  	[smem:$0x3FBF] =	sst s2  }
0x8f: {  	_ = 	snop  }
0x90: {  	(tm) =	ssettm $0x1  }
0x91: {  	s17 =	sld [smem:$0x3FFB];
	_ =	sdelay $0x3  }
0x92: {  	_ =	strace s17  }
0x93: {  	s2 =	sld [smem:$0x3FFC];
	_ =	sdelay $0x3  }
0x94: {  	_ =	strace s2  }
0x95: {  	s2 =	sld [smem:$0x3FFD];
	_ =	sdelay $0x3  }
0x96: {  	_ =	strace s2  }
0x97: {  	_ =	strace $0x8FFFFFFF  }
0x98: {  	s18 =	sld [smem:$0x3FDB];
	_ =	sdelay $0x1  }
0x99: {  	s19 =	simm.s32 $_scs_section_size  }
0x9a: {  	s4 =	simm.s32 $_size__tile_overlayer_lowered;
	s5 =	simm.s32 $_tile_overlayer_lowered  }
0x9b: {  	s22 =	simm.s32 $0x1BFF;
	s21 =	sshll.u32 s5, $0x1;
	s2 =	sadd.s32 s19, s18  }
0x9c: {  	s6 =	simm.s32 $0x0;
	s20 =	sshll.u32 s4, $0x1;
	s4 =	sadd.s32 s21, s2  }
0x9d: {  	[timem:s6], [sflag:s22] =	dma.local [hbm:s4], s20  }
0x9e: {  	_ =	swait.ge [sflag:s22], s20  }
0x9f: {  	s3 =	ssub.s32 $0x0, s20;
	[sflag:s22] =	ssyncset.done $0x0  }
0xa0: {  	[sflag:s22] =	ssyncadd.s32 s3;
	_ =	sdelay $0x1  }
0xa1: {  	s23 =	simm.s32 $0x1B8B  }
0xa2: {  	_ =	swait.ge [sflag:s23], $0x1  }
0xa3: {  	[sflag:s23] =	ssyncset.done $0x0  }
0xa4: {  	s25 =	simm.s32 $0x1B8E;
	s24 =	sld [smem:$0x3FFE];
	[sflag:s23] =	ssyncadd.s32 $0xFFFFFFFF  }
0xa5: {  	s26 =	simm.s32 $execute0_lowered;
	[smem:$0x3FD2] =	sst s25  }
0xa6: {  	s4 =	sshll.u32 s26, $0x1;
	_ =	strace $0x80000046;
	[dreg:$0x1] =	wrdreg $0xFFFFFFFF  }
0xa7: {  	s28 =	simm.s32 $_size_execute0_lowered;
	s2 =	sadd.s32 s2, s4;
	[dreg:$0x0] =	wrdreg $0x0  }
0xa8: {  	s4 =	sshll.u32 s28, $0x1;
	[dreg:$0x2] =	wrdreg s2  }
0xa9: {  	[dreg:$0x3] =	wrdreg s4  }
0xaa: {  	[dreg:$0x4] =	wrdreg $0xC0  }
0xab: {  	_ =	task [dreg:s6], $0x5FFFF  }
0xac: {  	[dreg:$0x1] =	wrdreg $0xFFFFFFFF  }
0xad: {  	[dreg:$0x0] =	wrdreg $0x60  }
0xae: {  	[dreg:$0x2] =	wrdreg s24  }
0xaf: {  	[dreg:$0x3] =	wrdreg $0x1000  }
0xb0: {  	[dreg:$0x4] =	wrdreg $0x9  }
0xb1: {  	_ =	task.clear_ibuf [dreg:s6], $0x5FFFF;
	_ =	strace $0x90000046  }
0xb2: {  	s29 =	simm.s32 $0x9;
	_ =	strace $0x80000048  }
0xb3: {  	_ =	swait.ge [sflag:s29], $0x1  }
0xb4: {  	[sflag:s29] =	ssyncadd.s32 $0xFFFFFFFF  }
0xb5: {  	_ =	strace $0x90000048  }
0xb6: {  	_ =	sfence  }
0xb7: {  	s30 =	sld [smem:$0x0];
	_ =	sdelay $0x2  }
0xb8: {  	s31 =	sshll.u32 s1, $0xD;
	s1 =	sshrl.u32 s1, $0x2  }
0xb9: {  	s3 =	sand.u32 $0x4000, s31;
	s1 =	sadd.s32 s1, s30  }
0xba: {  	s0 =	sor.u32 s3, s0;
	s1 =	sshll.u32 s1, $0x11  }
0xbb: {  	s0 =	sor.u32 s1, s0  }
0xbc: {  	s0 =	sadd.s32 $0x8F2B, s0  }
0xbd: {  	[sflag:s0] =	ssyncadd.remote.s32 $0x1  }
0xbe: {  	_ =	sfence.sel $0xFFFF  }
0xbf: {  	[dreg:$0x0] =	wrdreg $0xFFFFFFFF;
	(pc) =	sbr.abs _section_cstart, $3  }
0xc0: {  	[dreg:$0x1] =	wrdreg $0xFFFFFFFF  }
0xc1: {  	_ =	task.clear_ibuf [dreg:s6], $0x2FFFF;
	_ =	strace $0x9FFFFFFF  }
0xc2: {  	(tm) =	ssettm $0x7FFFFFFF  }
0xc3: {  	_ =	shalt  }
tec
execute0_lowered:
.L_overlay_start_1:
0x0: {  	(tag) =	ssettag $0x1  }
0x1: {  	s4 =	rddreg [dreg:$0x0]  }
0x2: {  	s1 =	rddreg [dreg:$0x1];
	s3 =	srdreg.scid  }
0x3: {  	s0 =	rddreg [dreg:$0x2];
	s5 =	sand.u32 $0x1, s3  }
0x4: {  	s2 =	simm.s32 $0x0;
	s3 =	stileid.u32;
	s6 =	smul.u32 $0x5000, s5  }
0x5: {  	[smem:$0x7FF] =	sst s2;
	s7 =	smul.u32 $0xA00, s3  }
0x6: {  	s19 =	sadd.s32 $0xCE00, s4;
	s25 =	ssub.s32 $0x2, s5;
	s16 =	smul.u32 $0x280, s3  }
0x7: {  	_ =	strace $0x80000047;
	s17 =	smul.u32 $0x2800, s5;
	s26 =	sshrl.u32 s25, $0x1  }
0x8: {  	s23 =	smul.u32 $0x500, s3;
	s18 =	sadd.s32 s6, s4;
	s6 =	ssub.s32 s25, s26  }
0x9: {  	s7 =	sshrl.u32 s7, $0x2;
	s4 =	sadd.s32 s16, s1;
	s11 =	sadd.s32 s17, s16  }
0xa: {  	s12 =	sadd.s32 $0x80, s16;
	s14 =	sadd.s32 $0x100, s16;
	s20 =	sadd.s32 $0x180, s16  }
0xb: {  	s22 =	sadd.s32 $0x200, s16;
	s5 =	smax.u32 s6, $0x1;
	s6 =	sadd.s32 s7, s1  }
0xc: {  	s11 =	sshrl.u32 s11, $0x3;
	s13 =	sadd.s32 s17, s12;
	s15 =	sadd.s32 s17, s14  }
0xd: {  	s12 =	sadd.s32 s12, s1;
	s14 =	sadd.s32 s14, s1;
	s21 =	sadd.s32 s17, s20  }
0xe: {  	s16 =	sadd.s32 s20, s1;
	s29 =	sadd.s32 s17, s22;
	s31 =	sadd.s32 s23, s18  }
0xf: {  	s18 =	sadd.s32 s22, s1;
	s22 =	simm.s32 $0x1;
	s23 =	simm.s32 $0x0  }
0x10: {  	s7 =	sadd.s32 $0x80, s6;
	s8 =	sadd.s32 $0x100, s6;
	s9 =	sadd.s32 $0x180, s6  }
0x11: {  	s10 =	sadd.s32 $0x200, s6;
	s11 =	sadd.s32 s19, s11;
	s13 =	sshrl.u32 s13, $0x3  }
0x12: {  	s15 =	sshrl.u32 s15, $0x3;
	s28 =	sshrl.u32 s21, $0x3;
	s30 =	sshrl.u32 s29, $0x3  }
0x13: {  	s20 =	sadd.s32 $0x2C00, s31;
	s21 =	simm.s32 $0x80;
	s13 =	sadd.s32 s19, s13  }
0x14: {  	v0 =	vimm.f32 $0.0e+00;
	v1 =	vimm.f32 $1.000000000e+00;
	s15 =	sadd.s32 s19, s15;
	s17 =	sadd.s32 s19, s28;
	s19 =	sadd.s32 s19, s30  }
.LBB2_1:
0x15: {  	[tilespmem:$0x80] =	vst v0  }
0x16: {  	[tilespmem:$0x90] =	vst v0  }
0x17: {  	[tilespmem:$0xA0] =	vst v0  }
0x18: {  	[tilespmem:$0xB0] =	vst v0  }
0x19: {  	[tilespmem:$0xC0] =	vst v0  }
0x1a: {  	[tilespmem:$0xD0] =	vst v0  }
0x1b: {  	[tilespmem:$0xE0] =	vst v0  }
0x1c: {  	[tilespmem:$0xF0] =	vst v0  }
0x1d: {  	[spmem:s6] =	stream.linear.scatter [tilespmem:s21], [sflag:$0x1], $0x80, $0x38;
	[tilespmem:$0x380] =	vst v63  }
0x1e: {  	_ =	swait.ge [sflag:s22], $0x80  }
0x1f: {  	[sflag:s22] =	ssyncset.done $0x0  }
0x20: {  	[sflag:s22] =	ssyncadd.s32 $0xFFFFFF80  }
0x21: {  	[spmem:s7] =	stream.linear.scatter [tilespmem:s21], [sflag:$0x1], $0x80, $0x38;
	[tilespmem:$0x380] =	vst v63  }
0x22: {  	_ =	swait.ge [sflag:s22], $0x80  }
0x23: {  	[sflag:s22] =	ssyncset.done $0x0  }
0x24: {  	[sflag:s22] =	ssyncadd.s32 $0xFFFFFF80  }
0x25: {  	[spmem:s8] =	stream.linear.scatter [tilespmem:s21], [sflag:$0x1], $0x80, $0x38;
	[tilespmem:$0x380] =	vst v63  }
0x26: {  	_ =	swait.ge [sflag:s22], $0x80  }
0x27: {  	[sflag:s22] =	ssyncset.done $0x0  }
0x28: {  	[sflag:s22] =	ssyncadd.s32 $0xFFFFFF80  }
0x29: {  	[spmem:s9] =	stream.linear.scatter [tilespmem:s21], [sflag:$0x1], $0x80, $0x38;
	[tilespmem:$0x380] =	vst v63  }
0x2a: {  	_ =	swait.ge [sflag:s22], $0x80  }
0x2b: {  	[sflag:s22] =	ssyncset.done $0x0  }
0x2c: {  	[sflag:s22] =	ssyncadd.s32 $0xFFFFFF80  }
0x2d: {  	[spmem:s10] =	stream.linear.scatter [tilespmem:s21], [sflag:$0x1], $0x80, $0x38;
	[tilespmem:$0x380] =	vst v63  }
0x2e: {  	_ =	swait.ge [sflag:s22], $0x80  }
0x2f: {  	[sflag:s22] =	ssyncset.done $0x0  }
0x30: {  	[sflag:s22] =	ssyncadd.s32 $0xFFFFFF80  }
0x31: {  	[tilespmem:$0x80] =	vst v1  }
0x32: {  	[tilespmem:$0x90] =	vst v1  }
0x33: {  	[tilespmem:$0xA0] =	vst v1  }
0x34: {  	[tilespmem:$0xB0] =	vst v1  }
0x35: {  	[tilespmem:$0xC0] =	vst v1  }
0x36: {  	[tilespmem:$0xD0] =	vst v1  }
0x37: {  	[tilespmem:$0xE0] =	vst v1  }
0x38: {  	[tilespmem:$0xF0] =	vst v1  }
0x39: {  	s24 =	sadd.s32 $0x0, s20;
	[bflag:$0x0] =	sbarrier.arrive $0xFFFF  }
0x3a: {  	[tilespmem:s2], [sflag:$0x1] =	stream.linear.gather [hbm4b:s24+s2], $0x80, $0x38;
	[tilespmem:$0x380] =	vst v63  }
0x3b: {  	_ =	swait.ge [sflag:s22], $0x80  }
0x3c: {  	[sflag:s22] =	ssyncset.done $0x0  }
0x3d: {  	[sflag:s22] =	ssyncadd.s32 $0xFFFFFF80  }
0x3e: {  	[spmem:s1] =	stream.indirect.scatter.add.f32 [tilespmem:s21], [sflag:$0x1], $0x1, s2, s21, $0xb8;
	[tilespmem:$0x380] =	vst v63  }
0x3f: {  	_ =	swait.ge [sflag:s22], $0x80  }
0x40: {  	s25 =	simm.s32 $0x20;
	s24 =	simm.s32 $0x10;
	[sflag:s22] =	ssyncset.done $0x0  }
.LBB2_2:
0x41: {  	s26 =	sadd.s32 s24, s20  }
0x42: {  	[sflag:s22] =	ssyncadd.s32 $0xFFFFFF80;
	s24 =	smov.u32 s25;
	s28 =	sadd.s32 $0x10, s25  }
0x43: {  	[tilespmem:s2], [sflag:$0x1] =	stream.linear.gather [hbm4b:s26+s2], $0x80, $0x38;
	[tilespmem:$0x380] =	vst v63  }
0x44: {  	p0 =	sne.s32 s25, $0x4F0;
	_ =	swait.ge [sflag:s22], $0x80  }
.Ltmp0:
0x45: {  	[sflag:s22] =	ssyncset.done $0x0;
	(pc) =	sbr.rel @p0 .LBB2_2-.Ltmp0, $4  }
0x46: {  	[sflag:s22] =	ssyncadd.s32 $0xFFFFFF80  }
0x47: {  	[spmem:s1] =	stream.indirect.scatter.add.f32 [tilespmem:s21], [sflag:$0x1], $0x1, s2, s21, $0xb8;
	[tilespmem:$0x380] =	vst v63  }
0x48: {  	_ =	swait.ge [sflag:s22], $0x80  }
0x49: {  	s25 =	smov.u32 s28;
	[sflag:s22] =	ssyncset.done $0x0  }
0x4a: {  	s24 =	sadd.s32 s24, s20;
	[sflag:s22] =	ssyncadd.s32 $0xFFFFFF80  }
0x4b: {  	[tilespmem:s2], [sflag:$0x1] =	stream.linear.gather [hbm4b:s24+s2], $0x80, $0x38;
	[tilespmem:$0x380] =	vst v63  }
0x4c: {  	_ =	swait.ge [sflag:s22], $0x80  }
0x4d: {  	[sflag:s22] =	ssyncset.done $0x0  }
0x4e: {  	[sflag:s22] =	ssyncadd.s32 $0xFFFFFF80  }
0x4f: {  	[spmem:s1] =	stream.indirect.scatter.add.f32 [tilespmem:s21], [sflag:$0x1], $0x1, s2, s21, $0xb8;
	[tilespmem:$0x380] =	vst v63  }
0x50: {  	_ =	swait.ge [sflag:s22], $0x80  }
0x51: {  	[sflag:s22] =	ssyncset.done $0x0  }
0x52: {  	[sflag:s22] =	ssyncadd.s32 $0xFFFFFF80  }
0x53: {  	[bflag:$0x0] =	sbarrier.arrive $0xFFFF  }
0x54: {  	[tilespmem:s21], [sflag:$0x1] =	stream.linear.gather [spmem:s4], $0x80, $0x38;
	[tilespmem:$0x380] =	vst v63  }
0x55: {  	_ =	swait.ge [sflag:s22], $0x80  }
0x56: {  	[sflag:s22] =	ssyncset.done $0x0  }
0x57: {  	[sflag:s22] =	ssyncadd.s32 $0xFFFFFF80  }
0x58: {  	[hbm4b:s11+s2] =	stream.linear.scatter [tilespmem:s21], [sflag:$0x1], $0x80, $0x38;
	[tilespmem:$0x380] =	vst v63  }
0x59: {  	_ =	swait.ge [sflag:s22], $0x80  }
0x5a: {  	[sflag:s22] =	ssyncset.done $0x0  }
0x5b: {  	[sflag:s22] =	ssyncadd.s32 $0xFFFFFF80  }
0x5c: {  	[tilespmem:s21], [sflag:$0x1] =	stream.linear.gather [spmem:s12], $0x80, $0x38;
	[tilespmem:$0x380] =	vst v63  }
0x5d: {  	_ =	swait.ge [sflag:s22], $0x80  }
0x5e: {  	[sflag:s22] =	ssyncset.done $0x0  }
0x5f: {  	[sflag:s22] =	ssyncadd.s32 $0xFFFFFF80  }
0x60: {  	[hbm4b:s13+s2] =	stream.linear.scatter [tilespmem:s21], [sflag:$0x1], $0x80, $0x38;
	[tilespmem:$0x380] =	vst v63  }
0x61: {  	_ =	swait.ge [sflag:s22], $0x80  }
0x62: {  	[sflag:s22] =	ssyncset.done $0x0  }
0x63: {  	[sflag:s22] =	ssyncadd.s32 $0xFFFFFF80  }
0x64: {  	[tilespmem:s21], [sflag:$0x1] =	stream.linear.gather [spmem:s14], $0x80, $0x38;
	[tilespmem:$0x380] =	vst v63  }
0x65: {  	_ =	swait.ge [sflag:s22], $0x80  }
0x66: {  	[sflag:s22] =	ssyncset.done $0x0  }
0x67: {  	[sflag:s22] =	ssyncadd.s32 $0xFFFFFF80  }
0x68: {  	[hbm4b:s15+s2] =	stream.linear.scatter [tilespmem:s21], [sflag:$0x1], $0x80, $0x38;
	[tilespmem:$0x380] =	vst v63  }
0x69: {  	_ =	swait.ge [sflag:s22], $0x80  }
0x6a: {  	[sflag:s22] =	ssyncset.done $0x0  }
0x6b: {  	[sflag:s22] =	ssyncadd.s32 $0xFFFFFF80  }
0x6c: {  	[tilespmem:s21], [sflag:$0x1] =	stream.linear.gather [spmem:s16], $0x80, $0x38;
	[tilespmem:$0x380] =	vst v63  }
0x6d: {  	_ =	swait.ge [sflag:s22], $0x80  }
0x6e: {  	[sflag:s22] =	ssyncset.done $0x0  }
0x6f: {  	[sflag:s22] =	ssyncadd.s32 $0xFFFFFF80  }
0x70: {  	[hbm4b:s17+s2] =	stream.linear.scatter [tilespmem:s21], [sflag:$0x1], $0x80, $0x38;
	[tilespmem:$0x380] =	vst v63  }
0x71: {  	_ =	swait.ge [sflag:s22], $0x80  }
0x72: {  	[sflag:s22] =	ssyncset.done $0x0  }
0x73: {  	[sflag:s22] =	ssyncadd.s32 $0xFFFFFF80  }
0x74: {  	[tilespmem:s21], [sflag:$0x1] =	stream.linear.gather [spmem:s18], $0x80, $0x38;
	[tilespmem:$0x380] =	vst v63  }
0x75: {  	s23 =	sadd.s32 $0x1, s23;
	_ =	swait.ge [sflag:s22], $0x80  }
0x76: {  	p0 =	sne.s32 s23, s5;
	[sflag:s22] =	ssyncset.done $0x0  }
.Ltmp1:
0x77: {  	[sflag:s22] =	ssyncadd.s32 $0xFFFFFF80;
	(pc) =	sbr.rel @p0 .LBB2_1-.Ltmp1, $4  }
0x78: {  	[hbm4b:s19+s2] =	stream.linear.scatter [tilespmem:s21], [sflag:$0x1], $0x80, $0x38;
	[tilespmem:$0x380] =	vst v63  }
0x79: {  	_ =	swait.ge [sflag:s22], $0x80  }
0x7a: {  	[sflag:s22] =	ssyncset.done $0x0  }
0x7b: {  	[sflag:s22] =	ssyncadd.s32 $0xFFFFFF80  }
0x7c: {  	_ =	sfence.sel $0x180000  }
0x7d: {  	[bflag:$0x0] =	sbarrier.arrive $0xFFFF  }
0x7e: {  	p0 =	sne.s32 s3, $0x0;
	_ =	strace $0x90000047  }
0x7f: {  	s0 =	sadd.s32 @!p0 $0x100000, s0;
	[bflag:$0x2] =	sbarrier.arrive $0xFFFF  }
0x80: {  	[sflag:s0] =	ssyncadd.tile.s32 @!p0 $0x1;
	_ =	shalt  }
.Lfunc_end2:
_tile_overlayer_lowered:
.L_overlay_start_2:
0x81: {  	(tag) =	ssettag $0x2  }
0x82: {  	s0 =	rddreg [dreg:$0x0];
	s2 =	stileid.u32  }
0x83: {  	s1 =	rddreg [dreg:$0x1];
	p0 =	sne.s32 s2, $0x0  }
0x84: {  	s3 =	rddreg [dreg:$0x2];
	[bflag:$0x3] =	sbarrier.arrive $0xFFFF;
	s2 =	simm.s32 @!p0 $0x1C01  }
0x85: {  	[timem:s3], [sflag:s2] =	dma.local @!p0 [hbm:s0], s1  }
0x86: {  	s0 =	simm.s32 @!p0 $0x1  }
0x87: {  	_ =	swait.ge @!p0 [sflag:s0], s1  }
0x88: {  	s1 =	ssub.s32 @!p0 $0x0, s1;
	[sflag:s0] =	ssyncset.done @!p0 $0x0  }
0x89: {  	[sflag:s0] =	ssyncadd.s32 @!p0 s1  }
0x8a: {  	[bflag:$0x3] =	sbarrier.arrive $0xFFFF  }
0x8b: {  	_ =	shalt  }

</sc_bundles>
